<compile_context>
chip_gen: v7x
topology: tpu7x:2x2x1
jax: 0.10.2.dev20260603
libtpu: 0.0.44.dev20260713+nightly
codegen_flags: <defaults>
</compile_context>

<pallas_src>
import functools

import jax
import jax.numpy as jnp
from jax import lax
from jax.experimental import pallas as pl
from jax.experimental.pallas import tpu as pltpu
from jax.experimental.pallas import tpu_sc as plsc

_NW = 32
_NS = 16
_C = 128


def _make_sc_kernel(N, ew, W):
    rows_per_tile = N // _NS
    nch = -(-ew // _C)

    @functools.partial(
        pl.kernel,
        out_type=jax.ShapeDtypeStruct((_NW * ew,), jnp.float32),
        mesh=plsc.VectorSubcoreMesh(core_axis_name="c", subcore_axis_name="s"),
        compiler_params=pltpu.CompilerParams(use_tc_tiling_on_sc=False,
                                             needs_layout_passes=False),
        scratch_types=[
            pltpu.VMEM_SHARED((N, W), jnp.int32),
            pltpu.VMEM((ew,), jnp.int32),
            pltpu.VMEM((ew,), jnp.int32),
            pltpu.VMEM((_C, W), jnp.int32),
            pltpu.VMEM((_C, W), jnp.int32),
            pltpu.VMEM((ew,), jnp.float32),
            pltpu.SemaphoreType.DMA,
            pltpu.SemaphoreType.DMA,
        ],
    )
    def sc_kernel(src_hbm, dst_hbm, xw_hbm, out_hbm,
                  table, idx_u, idx_v, urows, vrows, scores, semu, semv):
        sid = lax.axis_index("s")
        wid = sid * 2 + lax.axis_index("c")
        r0 = sid * rows_per_tile
        pltpu.sync_copy(xw_hbm.at[pl.ds(r0, rows_per_tile)],
                        table.at[pl.ds(r0, rows_per_tile)])
        e0 = wid * ew
        pltpu.sync_copy(src_hbm.at[pl.ds(e0, ew)], idx_u)
        pltpu.sync_copy(dst_hbm.at[pl.ds(e0, ew)], idx_v)
        plsc.subcore_barrier()
        lane = lax.iota(jnp.int32, 16)

        def chunk_body(i, carry):
            s = jnp.minimum(i * _C, ew - _C)
            cu = pltpu.async_copy(table.at[idx_u.at[pl.ds(s, _C)]],
                                  urows, semu)
            cv = pltpu.async_copy(table.at[idx_v.at[pl.ds(s, _C)]],
                                  vrows, semv)
            cu.wait()
            cv.wait()
            for g in range(_C // 16):
                rows = g * 16 + lane

                def pbody(p, accs):
                    pcol = (lane + p) & 15

                    def bbody(b, accs2):
                        acc0, acc1 = accs2
                        cols = pcol + b * 16
                        wu = plsc.load_gather(urows, [rows, cols])
                        wv = plsc.load_gather(vrows, [rows, cols])
                        pu = (plsc.bitcast(wu, jnp.bfloat16)
                              * plsc.bitcast(wv, jnp.bfloat16))
                        p0, p1 = plsc.unpack(
                            pu, format=plsc.PackFormat.INTERLEAVED)
                        return (acc0 + p0, acc1 + p1)

                    return lax.fori_loop(0, W // 16, bbody, accs, unroll=8)

                z = jnp.zeros((16,), jnp.float32)
                acc0, acc1 = lax.fori_loop(0, 16, pbody, (z, z))
                scores[pl.ds(s + g * 16, 16)] = acc0 + acc1
            return carry

        lax.fori_loop(0, nch, chunk_body, 0)
        pltpu.sync_copy(scores, out_hbm.at[pl.ds(e0, ew)])

    return sc_kernel


def kernel(x, edge_index):
    N, D = x.shape
    E = edge_index.shape[1]
    xw = jax.lax.bitcast_convert_type(
        x.astype(jnp.bfloat16).reshape(N, D // 2, 2), jnp.int32)
    src = edge_index[0].astype(jnp.int32)
    dst = edge_index[1].astype(jnp.int32)
    return _make_sc_kernel(N, E // _NW, D // 2)(src, dst, xw)

# --- scband reference (transcript-rebuilt; emitter-appended) ---
"""Pipeline reference for scband-score-predictor-77816217469100 (READ-ONLY COPY).

The authoritative reference and input builder live on the scoring server;
editing this copy changes nothing except your own understanding.
"""

import jax, jax.numpy as jnp
import numpy as np


def setup_inputs(seed: int = 0) -> dict:
    key = jax.random.key(seed)
    k1, k2 = jax.random.split(key)
    x = jax.random.normal(k1, (10000, 256), dtype=jnp.float32)
    edge_index = jax.random.randint(k2, (2, 160000), 0, 10000, dtype=jnp.int64)
    return {"x": x, "edge_index": edge_index}


def reference(x, edge_index):
    # DGL u_dot_v('x', 'x', 'score'): for each edge (u, v), score = dot(x[u], x[v]).
    # edge_subgraph.edata['score'] has shape [E, 1]; .squeeze() -> [E].
    src = edge_index[0]
    dst = edge_index[1]
    x_u = jnp.take(x, src, axis=0)
    x_v = jnp.take(x, dst, axis=0)
    score = jnp.sum(x_u * x_v, axis=-1, keepdims=True)
    return jnp.squeeze(score, axis=-1)

if __name__ == "__main__":
    import jax
    _d = setup_inputs()
    print(jax.jit(kernel)(*tuple(_d.values())))

</pallas_src>

<mosaic_0001>
#map = affine_map<(d0, d1) -> (0)>
#map1 = affine_map<(d0, d1) -> (0, 0)>
module attributes {stable_mosaic.version = 14 : i64} {
  func.func @sc_kernel(%arg0: i32, %arg1: i32, %arg2: memref<160000xi32, #tpu.memory_space<hbm>>, %arg3: memref<160000xi32, #tpu.memory_space<hbm>>, %arg4: memref<10000x128xi32, #tpu.memory_space<hbm>>, %arg5: memref<160000xf32, #tpu.memory_space<hbm>>, %arg6: memref<10000x128xi32, #tpu.memory_space<vmem_shared>>, %arg7: memref<5000xi32, #tpu.memory_space<vmem>>, %arg8: memref<5000xi32, #tpu.memory_space<vmem>>, %arg9: memref<128x128xi32, #tpu.memory_space<vmem>>, %arg10: memref<128x128xi32, #tpu.memory_space<vmem>>, %arg11: memref<5000xf32, #tpu.memory_space<vmem>>, %arg12: memref<!tpu.dma_semaphore, #tpu.memory_space<semaphore_mem>>, %arg13: memref<!tpu.dma_semaphore, #tpu.memory_space<semaphore_mem>>) attributes {dimension_semantics = [#tpu.dimension_semantics<core_parallel>, #tpu.dimension_semantics<subcore_parallel>], iteration_bounds = array<i64: 2, 16>, scalar_prefetch = 0 : i64, scratch_operands = 8 : i64, tpu.core_type = #tpu.core_type<sc_vector_subcore>, window_params = [{transform_indices = #map}, {transform_indices = #map}, {transform_indices = #map1}, {transform_indices = #map}]} {
    %mul3A = arith.constant 2 : i32
    %mul3A_0 = arith.muli %arg1, %mul3A : i32
    %add3A = arith.addi %mul3A_0, %arg0 : i32
    %mul3A_1 = arith.constant 625 : i32
    %mul3A_2 = arith.muli %arg1, %mul3A_1 : i32
    "tpu.region"() ({
      %run_scoped3A = tpu.sem_alloc : memref<!tpu.dma_semaphore, #tpu.memory_space<semaphore_mem>>
      %dma_start3A = arith.constant 0 : i32
      %dma_start3A_10 = tpu.memref_slice %arg6[%mul3A_2, %dma_start3A] : memref<10000x128xi32, #tpu.memory_space<vmem_shared>> -> memref<625x128xi32, #tpu.memory_space<vmem_shared>>
      %dma_start3A_11 = arith.constant 0 : i32
      %dma_start3A_12 = tpu.memref_slice %arg4[%mul3A_2, %dma_start3A_11] : memref<10000x128xi32, #tpu.memory_space<hbm>> -> memref<625x128xi32, #tpu.memory_space<hbm>>
      tpu.enqueue_dma source(%dma_start3A_12 : memref<625x128xi32, #tpu.memory_space<hbm>>) target(%dma_start3A_10 : memref<625x128xi32, #tpu.memory_space<vmem_shared>>) target_semaphore(%run_scoped3A : memref<!tpu.dma_semaphore, #tpu.memory_space<semaphore_mem>>)
      %dma_wait3A = arith.constant 0 : i32
      %dma_wait3A_13 = tpu.memref_slice %arg6[%mul3A_2, %dma_wait3A] : memref<10000x128xi32, #tpu.memory_space<vmem_shared>> -> memref<625x128xi32, #tpu.memory_space<vmem_shared>>
      %dma_wait3A_14 = arith.constant 0 : i32
      %dma_wait3A_15 = tpu.memref_slice %arg4[%mul3A_2, %dma_wait3A_14] : memref<10000x128xi32, #tpu.memory_space<hbm>> -> memref<625x128xi32, #tpu.memory_space<hbm>>
      tpu.wait_dma2 semaphore(%run_scoped3A : memref<!tpu.dma_semaphore, #tpu.memory_space<semaphore_mem>>) src(%dma_wait3A_15 : memref<625x128xi32, #tpu.memory_space<hbm>>) dst(%dma_wait3A_13 : memref<625x128xi32, #tpu.memory_space<vmem_shared>>)
      tpu.yield
    }) : () -> ()
    %mul3A_3 = arith.constant 5000 : i32
    %mul3A_4 = arith.muli %add3A, %mul3A_3 : i32
    "tpu.region"() ({
      %run_scoped3A = tpu.sem_alloc : memref<!tpu.dma_semaphore, #tpu.memory_space<semaphore_mem>>
      %dma_start3A = tpu.memref_slice %arg2[%mul3A_4] : memref<160000xi32, #tpu.memory_space<hbm>> -> memref<5000xi32, #tpu.memory_space<hbm>>
      %dma_start3A_10 = tpu.memref_slice %arg2[%mul3A_4] : memref<160000xi32, #tpu.memory_space<hbm>> -> memref<5000xi32, #tpu.memory_space<hbm>>
      tpu.enqueue_dma source(%dma_start3A_10 : memref<5000xi32, #tpu.memory_space<hbm>>) target(%arg7 : memref<5000xi32, #tpu.memory_space<vmem>>) target_semaphore(%run_scoped3A : memref<!tpu.dma_semaphore, #tpu.memory_space<semaphore_mem>>)
      %dma_wait3A = tpu.memref_slice %arg2[%mul3A_4] : memref<160000xi32, #tpu.memory_space<hbm>> -> memref<5000xi32, #tpu.memory_space<hbm>>
      %dma_wait3A_11 = tpu.memref_slice %arg2[%mul3A_4] : memref<160000xi32, #tpu.memory_space<hbm>> -> memref<5000xi32, #tpu.memory_space<hbm>>
      tpu.wait_dma2 semaphore(%run_scoped3A : memref<!tpu.dma_semaphore, #tpu.memory_space<semaphore_mem>>) src(%dma_wait3A_11 : memref<5000xi32, #tpu.memory_space<hbm>>) dst(%arg7 : memref<5000xi32, #tpu.memory_space<vmem>>)
      tpu.yield
    }) : () -> ()
    "tpu.region"() ({
      %run_scoped3A = tpu.sem_alloc : memref<!tpu.dma_semaphore, #tpu.memory_space<semaphore_mem>>
      %dma_start3A = tpu.memref_slice %arg3[%mul3A_4] : memref<160000xi32, #tpu.memory_space<hbm>> -> memref<5000xi32, #tpu.memory_space<hbm>>
      %dma_start3A_10 = tpu.memref_slice %arg3[%mul3A_4] : memref<160000xi32, #tpu.memory_space<hbm>> -> memref<5000xi32, #tpu.memory_space<hbm>>
      tpu.enqueue_dma source(%dma_start3A_10 : memref<5000xi32, #tpu.memory_space<hbm>>) target(%arg8 : memref<5000xi32, #tpu.memory_space<vmem>>) target_semaphore(%run_scoped3A : memref<!tpu.dma_semaphore, #tpu.memory_space<semaphore_mem>>)
      %dma_wait3A = tpu.memref_slice %arg3[%mul3A_4] : memref<160000xi32, #tpu.memory_space<hbm>> -> memref<5000xi32, #tpu.memory_space<hbm>>
      %dma_wait3A_11 = tpu.memref_slice %arg3[%mul3A_4] : memref<160000xi32, #tpu.memory_space<hbm>> -> memref<5000xi32, #tpu.memory_space<hbm>>
      tpu.wait_dma2 semaphore(%run_scoped3A : memref<!tpu.dma_semaphore, #tpu.memory_space<semaphore_mem>>) src(%dma_wait3A_11 : memref<5000xi32, #tpu.memory_space<hbm>>) dst(%arg8 : memref<5000xi32, #tpu.memory_space<vmem>>)
      tpu.yield
    }) : () -> ()
    %barrier3A = arith.constant 0 : index
    tpu.barrier barrier_id(%barrier3A)
    %iota3A = tpu.iota {dimensions = array<i32: 0>} : vector<16xi32>
    %scan3A = arith.constant 0 : i32
    %scan3A_5 = arith.constant 0 : i32
    %scan3A_6 = arith.constant 40 : i32
    %scan3A_7 = arith.addi %scan3A_5, %scan3A_6 : i32
    %scan3A_8 = arith.constant 1 : i32
    scf.for %scan3A_10 = %scan3A_5 to %scan3A_7 step %scan3A_8  : i32 {
      %mul3A_11 = arith.constant 128 : i32
      %mul3A_12 = arith.muli %scan3A_10, %mul3A_11 : i32
      %min3A = arith.constant 4872 : i32
      %min3A_13 = arith.minsi %mul3A_12, %min3A : i32
      %dma_start3A = tpu.memref_slice %arg7[%min3A_13] : memref<5000xi32, #tpu.memory_space<vmem>> -> memref<128xi32, #tpu.memory_space<vmem>>
      %dma_start3A_14 = arith.constant 0 : i32
      %dma_start3A_15 = arith.constant 0 : i32
      %dma_start3A_16 = tpu.memref_slice %arg6[%dma_start3A_14, %dma_start3A_15] : memref<10000x128xi32, #tpu.memory_space<vmem_shared>> -> memref<10000x128xi32, #tpu.memory_space<vmem_shared>>
      tpu.enqueue_indirect_dma source(%dma_start3A_16 : memref<10000x128xi32, #tpu.memory_space<vmem_shared>>) target(%arg9 : memref<128x128xi32, #tpu.memory_space<vmem>>) offsets(%dma_start3A : memref<128xi32, #tpu.memory_space<vmem>>) semaphore(%arg12 : memref<!tpu.dma_semaphore, #tpu.memory_space<semaphore_mem>>)
      %dma_start3A_17 = tpu.memref_slice %arg8[%min3A_13] : memref<5000xi32, #tpu.memory_space<vmem>> -> memref<128xi32, #tpu.memory_space<vmem>>
      %dma_start3A_18 = arith.constant 0 : i32
      %dma_start3A_19 = arith.constant 0 : i32
      %dma_start3A_20 = tpu.memref_slice %arg6[%dma_start3A_18, %dma_start3A_19] : memref<10000x128xi32, #tpu.memory_space<vmem_shared>> -> memref<10000x128xi32, #tpu.memory_space<vmem_shared>>
      tpu.enqueue_indirect_dma source(%dma_start3A_20 : memref<10000x128xi32, #tpu.memory_space<vmem_shared>>) target(%arg10 : memref<128x128xi32, #tpu.memory_space<vmem>>) offsets(%dma_start3A_17 : memref<128xi32, #tpu.memory_space<vmem>>) semaphore(%arg13 : memref<!tpu.dma_semaphore, #tpu.memory_space<semaphore_mem>>)
      %dma_wait3A = tpu.memref_slice %arg7[%min3A_13] : memref<5000xi32, #tpu.memory_space<vmem>> -> memref<128xi32, #tpu.memory_space<vmem>>
      %dma_wait3A_21 = arith.constant 0 : i32
      %dma_wait3A_22 = arith.constant 0 : i32
      %dma_wait3A_23 = tpu.memref_slice %arg6[%dma_wait3A_21, %dma_wait3A_22] : memref<10000x128xi32, #tpu.memory_space<vmem_shared>> -> memref<10000x128xi32, #tpu.memory_space<vmem_shared>>
      tpu.wait_indirect_dma semaphore(%arg12 : memref<!tpu.dma_semaphore, #tpu.memory_space<semaphore_mem>>) src(%dma_wait3A_23 : memref<10000x128xi32, #tpu.memory_space<vmem_shared>>) dst(%arg9 : memref<128x128xi32, #tpu.memory_space<vmem>>)
      %dma_wait3A_24 = tpu.memref_slice %arg8[%min3A_13] : memref<5000xi32, #tpu.memory_space<vmem>> -> memref<128xi32, #tpu.memory_space<vmem>>
      %dma_wait3A_25 = arith.constant 0 : i32
      %dma_wait3A_26 = arith.constant 0 : i32
      %dma_wait3A_27 = tpu.memref_slice %arg6[%dma_wait3A_25, %dma_wait3A_26] : memref<10000x128xi32, #tpu.memory_space<vmem_shared>> -> memref<10000x128xi32, #tpu.memory_space<vmem_shared>>
      tpu.wait_indirect_dma semaphore(%arg13 : memref<!tpu.dma_semaphore, #tpu.memory_space<semaphore_mem>>) src(%dma_wait3A_27 : memref<10000x128xi32, #tpu.memory_space<vmem_shared>>) dst(%arg10 : memref<128x128xi32, #tpu.memory_space<vmem>>)
      %add3A_28 = arith.constant 0 : i32
      %add3A_29 = vector.broadcast %add3A_28 : i32 to vector<16xi32>
      %add3A_30 = arith.addi %add3A_29, %iota3A : vector<16xi32>
      %broadcast_in_dim3A = arith.constant 0.000000e+00 : f32
      %broadcast_in_dim3A_31 = vector.broadcast %broadcast_in_dim3A : f32 to vector<16xf32>
      %scan3A_32 = arith.constant 0 : i32
      %scan3A_33 = arith.constant 16 : i32
      %scan3A_34 = arith.addi %scan3A_32, %scan3A_33 : i32
      %scan3A_35 = arith.constant 1 : i32
      %scan3A_36:2 = scf.for %scan3A_154 = %scan3A_32 to %scan3A_34 step %scan3A_35 iter_args(%scan3A_155 = %broadcast_in_dim3A_31, %scan3A_156 = %broadcast_in_dim3A_31) -> (vector<16xf32>, vector<16xf32>)  : i32 {
        %add3A_157 = vector.broadcast %scan3A_154 : i32 to vector<16xi32>
        %add3A_158 = arith.addi %iota3A, %add3A_157 : vector<16xi32>
        %and3A = arith.constant 15 : i32
        %and3A_159 = vector.broadcast %and3A : i32 to vector<16xi32>
        %and3A_160 = arith.andi %add3A_158, %and3A_159 : vector<16xi32>
        %scan3A_161 = arith.constant 0 : i32
        %mul3A_162 = arith.constant 16 : i32
        %mul3A_163 = arith.muli %scan3A_161, %mul3A_162 : i32
        %add3A_164 = vector.broadcast %mul3A_163 : i32 to vector<16xi32>
        %add3A_165 = arith.addi %and3A_160, %add3A_164 : vector<16xi32>
        %gather3A = tpu.vector_load_idx %arg9[%add3A_30, %add3A_165] : memref<128x128xi32, #tpu.memory_space<vmem>>[vector<16xi32>, vector<16xi32>], vector<16xi32>,
        %gather3A_166 = tpu.vector_load_idx %arg10[%add3A_30, %add3A_165] : memref<128x128xi32, #tpu.memory_space<vmem>>[vector<16xi32>, vector<16xi32>], vector<16xi32>,
        %bitcast3A = vector.bitcast %gather3A : vector<16xi32> to vector<32xbf16>
        %bitcast3A_167 = vector.bitcast %gather3A_166 : vector<16xi32> to vector<32xbf16>
        %mul3A_168 = arith.mulf %bitcast3A, %bitcast3A_167 : vector<32xbf16>
        %unpack3A = tpu.unpack_subelements %mul3A_168, 0 {pack_format = #tpu.pack_format<interleaved>} : vector<32xbf16> -> vector<16xf32>
        %unpack3A_169 = tpu.unpack_subelements %mul3A_168, 1 {pack_format = #tpu.pack_format<interleaved>} : vector<32xbf16> -> vector<16xf32>
        %add3A_170 = arith.addf %scan3A_155, %unpack3A : vector<16xf32>
        %add3A_171 = arith.addf %scan3A_156, %unpack3A_169 : vector<16xf32>
        %scan3A_172 = arith.constant 1 : i32
        %mul3A_173 = arith.constant 16 : i32
        %mul3A_174 = arith.muli %scan3A_172, %mul3A_173 : i32
        %add3A_175 = vector.broadcast %mul3A_174 : i32 to vector<16xi32>
        %add3A_176 = arith.addi %and3A_160, %add3A_175 : vector<16xi32>
        %gather3A_177 = tpu.vector_load_idx %arg9[%add3A_30, %add3A_176] : memref<128x128xi32, #tpu.memory_space<vmem>>[vector<16xi32>, vector<16xi32>], vector<16xi32>,
        %gather3A_178 = tpu.vector_load_idx %arg10[%add3A_30, %add3A_176] : memref<128x128xi32, #tpu.memory_space<vmem>>[vector<16xi32>, vector<16xi32>], vector<16xi32>,
        %bitcast3A_179 = vector.bitcast %gather3A_177 : vector<16xi32> to vector<32xbf16>
        %bitcast3A_180 = vector.bitcast %gather3A_178 : vector<16xi32> to vector<32xbf16>
        %mul3A_181 = arith.mulf %bitcast3A_179, %bitcast3A_180 : vector<32xbf16>
        %unpack3A_182 = tpu.unpack_subelements %mul3A_181, 0 {pack_format = #tpu.pack_format<interleaved>} : vector<32xbf16> -> vector<16xf32>
        %unpack3A_183 = tpu.unpack_subelements %mul3A_181, 1 {pack_format = #tpu.pack_format<interleaved>} : vector<32xbf16> -> vector<16xf32>
        %add3A_184 = arith.addf %add3A_170, %unpack3A_182 : vector<16xf32>
        %add3A_185 = arith.addf %add3A_171, %unpack3A_183 : vector<16xf32>
        %scan3A_186 = arith.constant 2 : i32
        %mul3A_187 = arith.constant 16 : i32
        %mul3A_188 = arith.muli %scan3A_186, %mul3A_187 : i32
        %add3A_189 = vector.broadcast %mul3A_188 : i32 to vector<16xi32>
        %add3A_190 = arith.addi %and3A_160, %add3A_189 : vector<16xi32>
        %gather3A_191 = tpu.vector_load_idx %arg9[%add3A_30, %add3A_190] : memref<128x128xi32, #tpu.memory_space<vmem>>[vector<16xi32>, vector<16xi32>], vector<16xi32>,
        %gather3A_192 = tpu.vector_load_idx %arg10[%add3A_30, %add3A_190] : memref<128x128xi32, #tpu.memory_space<vmem>>[vector<16xi32>, vector<16xi32>], vector<16xi32>,
        %bitcast3A_193 = vector.bitcast %gather3A_191 : vector<16xi32> to vector<32xbf16>
        %bitcast3A_194 = vector.bitcast %gather3A_192 : vector<16xi32> to vector<32xbf16>
        %mul3A_195 = arith.mulf %bitcast3A_193, %bitcast3A_194 : vector<32xbf16>
        %unpack3A_196 = tpu.unpack_subelements %mul3A_195, 0 {pack_format = #tpu.pack_format<interleaved>} : vector<32xbf16> -> vector<16xf32>
        %unpack3A_197 = tpu.unpack_subelements %mul3A_195, 1 {pack_format = #tpu.pack_format<interleaved>} : vector<32xbf16> -> vector<16xf32>
        %add3A_198 = arith.addf %add3A_184, %unpack3A_196 : vector<16xf32>
        %add3A_199 = arith.addf %add3A_185, %unpack3A_197 : vector<16xf32>
        %scan3A_200 = arith.constant 3 : i32
        %mul3A_201 = arith.constant 16 : i32
        %mul3A_202 = arith.muli %scan3A_200, %mul3A_201 : i32
        %add3A_203 = vector.broadcast %mul3A_202 : i32 to vector<16xi32>
        %add3A_204 = arith.addi %and3A_160, %add3A_203 : vector<16xi32>
        %gather3A_205 = tpu.vector_load_idx %arg9[%add3A_30, %add3A_204] : memref<128x128xi32, #tpu.memory_space<vmem>>[vector<16xi32>, vector<16xi32>], vector<16xi32>,
        %gather3A_206 = tpu.vector_load_idx %arg10[%add3A_30, %add3A_204] : memref<128x128xi32, #tpu.memory_space<vmem>>[vector<16xi32>, vector<16xi32>], vector<16xi32>,
        %bitcast3A_207 = vector.bitcast %gather3A_205 : vector<16xi32> to vector<32xbf16>
        %bitcast3A_208 = vector.bitcast %gather3A_206 : vector<16xi32> to vector<32xbf16>
        %mul3A_209 = arith.mulf %bitcast3A_207, %bitcast3A_208 : vector<32xbf16>
        %unpack3A_210 = tpu.unpack_subelements %mul3A_209, 0 {pack_format = #tpu.pack_format<interleaved>} : vector<32xbf16> -> vector<16xf32>
        %unpack3A_211 = tpu.unpack_subelements %mul3A_209, 1 {pack_format = #tpu.pack_format<interleaved>} : vector<32xbf16> -> vector<16xf32>
        %add3A_212 = arith.addf %add3A_198, %unpack3A_210 : vector<16xf32>
        %add3A_213 = arith.addf %add3A_199, %unpack3A_211 : vector<16xf32>
        %scan3A_214 = arith.constant 4 : i32
        %mul3A_215 = arith.constant 16 : i32
        %mul3A_216 = arith.muli %scan3A_214, %mul3A_215 : i32
        %add3A_217 = vector.broadcast %mul3A_216 : i32 to vector<16xi32>
        %add3A_218 = arith.addi %and3A_160, %add3A_217 : vector<16xi32>
        %gather3A_219 = tpu.vector_load_idx %arg9[%add3A_30, %add3A_218] : memref<128x128xi32, #tpu.memory_space<vmem>>[vector<16xi32>, vector<16xi32>], vector<16xi32>,
        %gather3A_220 = tpu.vector_load_idx %arg10[%add3A_30, %add3A_218] : memref<128x128xi32, #tpu.memory_space<vmem>>[vector<16xi32>, vector<16xi32>], vector<16xi32>,
        %bitcast3A_221 = vector.bitcast %gather3A_219 : vector<16xi32> to vector<32xbf16>
        %bitcast3A_222 = vector.bitcast %gather3A_220 : vector<16xi32> to vector<32xbf16>
        %mul3A_223 = arith.mulf %bitcast3A_221, %bitcast3A_222 : vector<32xbf16>
        %unpack3A_224 = tpu.unpack_subelements %mul3A_223, 0 {pack_format = #tpu.pack_format<interleaved>} : vector<32xbf16> -> vector<16xf32>
        %unpack3A_225 = tpu.unpack_subelements %mul3A_223, 1 {pack_format = #tpu.pack_format<interleaved>} : vector<32xbf16> -> vector<16xf32>
        %add3A_226 = arith.addf %add3A_212, %unpack3A_224 : vector<16xf32>
        %add3A_227 = arith.addf %add3A_213, %unpack3A_225 : vector<16xf32>
        %scan3A_228 = arith.constant 5 : i32
        %mul3A_229 = arith.constant 16 : i32
        %mul3A_230 = arith.muli %scan3A_228, %mul3A_229 : i32
        %add3A_231 = vector.broadcast %mul3A_230 : i32 to vector<16xi32>
        %add3A_232 = arith.addi %and3A_160, %add3A_231 : vector<16xi32>
        %gather3A_233 = tpu.vector_load_idx %arg9[%add3A_30, %add3A_232] : memref<128x128xi32, #tpu.memory_space<vmem>>[vector<16xi32>, vector<16xi32>], vector<16xi32>,
        %gather3A_234 = tpu.vector_load_idx %arg10[%add3A_30, %add3A_232] : memref<128x128xi32, #tpu.memory_space<vmem>>[vector<16xi32>, vector<16xi32>], vector<16xi32>,
        %bitcast3A_235 = vector.bitcast %gather3A_233 : vector<16xi32> to vector<32xbf16>
        %bitcast3A_236 = vector.bitcast %gather3A_234 : vector<16xi32> to vector<32xbf16>
        %mul3A_237 = arith.mulf %bitcast3A_235, %bitcast3A_236 : vector<32xbf16>
        %unpack3A_238 = tpu.unpack_subelements %mul3A_237, 0 {pack_format = #tpu.pack_format<interleaved>} : vector<32xbf16> -> vector<16xf32>
        %unpack3A_239 = tpu.unpack_subelements %mul3A_237, 1 {pack_format = #tpu.pack_format<interleaved>} : vector<32xbf16> -> vector<16xf32>
        %add3A_240 = arith.addf %add3A_226, %unpack3A_238 : vector<16xf32>
        %add3A_241 = arith.addf %add3A_227, %unpack3A_239 : vector<16xf32>
        %scan3A_242 = arith.constant 6 : i32
        %mul3A_243 = arith.constant 16 : i32
        %mul3A_244 = arith.muli %scan3A_242, %mul3A_243 : i32
        %add3A_245 = vector.broadcast %mul3A_244 : i32 to vector<16xi32>
        %add3A_246 = arith.addi %and3A_160, %add3A_245 : vector<16xi32>
        %gather3A_247 = tpu.vector_load_idx %arg9[%add3A_30, %add3A_246] : memref<128x128xi32, #tpu.memory_space<vmem>>[vector<16xi32>, vector<16xi32>], vector<16xi32>,
        %gather3A_248 = tpu.vector_load_idx %arg10[%add3A_30, %add3A_246] : memref<128x128xi32, #tpu.memory_space<vmem>>[vector<16xi32>, vector<16xi32>], vector<16xi32>,
        %bitcast3A_249 = vector.bitcast %gather3A_247 : vector<16xi32> to vector<32xbf16>
        %bitcast3A_250 = vector.bitcast %gather3A_248 : vector<16xi32> to vector<32xbf16>
        %mul3A_251 = arith.mulf %bitcast3A_249, %bitcast3A_250 : vector<32xbf16>
        %unpack3A_252 = tpu.unpack_subelements %mul3A_251, 0 {pack_format = #tpu.pack_format<interleaved>} : vector<32xbf16> -> vector<16xf32>
        %unpack3A_253 = tpu.unpack_subelements %mul3A_251, 1 {pack_format = #tpu.pack_format<interleaved>} : vector<32xbf16> -> vector<16xf32>
        %add3A_254 = arith.addf %add3A_240, %unpack3A_252 : vector<16xf32>
        %add3A_255 = arith.addf %add3A_241, %unpack3A_253 : vector<16xf32>
        %scan3A_256 = arith.constant 7 : i32
        %mul3A_257 = arith.constant 16 : i32
        %mul3A_258 = arith.muli %scan3A_256, %mul3A_257 : i32
        %add3A_259 = vector.broadcast %mul3A_258 : i32 to vector<16xi32>
        %add3A_260 = arith.addi %and3A_160, %add3A_259 : vector<16xi32>
        %gather3A_261 = tpu.vector_load_idx %arg9[%add3A_30, %add3A_260] : memref<128x128xi32, #tpu.memory_space<vmem>>[vector<16xi32>, vector<16xi32>], vector<16xi32>,
        %gather3A_262 = tpu.vector_load_idx %arg10[%add3A_30, %add3A_260] : memref<128x128xi32, #tpu.memory_space<vmem>>[vector<16xi32>, vector<16xi32>], vector<16xi32>,
        %bitcast3A_263 = vector.bitcast %gather3A_261 : vector<16xi32> to vector<32xbf16>
        %bitcast3A_264 = vector.bitcast %gather3A_262 : vector<16xi32> to vector<32xbf16>
        %mul3A_265 = arith.mulf %bitcast3A_263, %bitcast3A_264 : vector<32xbf16>
        %unpack3A_266 = tpu.unpack_subelements %mul3A_265, 0 {pack_format = #tpu.pack_format<interleaved>} : vector<32xbf16> -> vector<16xf32>
        %unpack3A_267 = tpu.unpack_subelements %mul3A_265, 1 {pack_format = #tpu.pack_format<interleaved>} : vector<32xbf16> -> vector<16xf32>
        %add3A_268 = arith.addf %add3A_254, %unpack3A_266 : vector<16xf32>
        %add3A_269 = arith.addf %add3A_255, %unpack3A_267 : vector<16xf32>
        %scan3A_270 = arith.constant 8 : i32
        scf.yield %add3A_268, %add3A_269 : vector<16xf32>, vector<16xf32>
      }
      %scan3A_37 = arith.constant 16 : i32
      %add3A_38 = arith.addf %scan3A_36#0, %scan3A_36#1 : vector<16xf32>
      %add3A_39 = arith.constant 0 : i32
      %add3A_40 = arith.addi %min3A_13, %add3A_39 : i32
      %swap3A = arith.index_cast %add3A_40 : i32 to index
      %swap3A_41 = tpu.vector_load %arg11[%swap3A] {strides = array<i32>} : memref<5000xf32, #tpu.memory_space<vmem>>, vector<16xf32>,
      tpu.vector_store %arg11[%swap3A], %add3A_38 {strides = array<i32>} : memref<5000xf32, #tpu.memory_space<vmem>>, vector<16xf32>,
      %add3A_42 = arith.constant 16 : i32
      %add3A_43 = vector.broadcast %add3A_42 : i32 to vector<16xi32>
      %add3A_44 = arith.addi %add3A_43, %iota3A : vector<16xi32>
      %broadcast_in_dim3A_45 = arith.constant 0.000000e+00 : f32
      %broadcast_in_dim3A_46 = vector.broadcast %broadcast_in_dim3A_45 : f32 to vector<16xf32>
      %scan3A_47 = arith.constant 0 : i32
      %scan3A_48 = arith.constant 16 : i32
      %scan3A_49 = arith.addi %scan3A_47, %scan3A_48 : i32
      %scan3A_50 = arith.constant 1 : i32
      %scan3A_51:2 = scf.for %scan3A_154 = %scan3A_47 to %scan3A_49 step %scan3A_50 iter_args(%scan3A_155 = %broadcast_in_dim3A_46, %scan3A_156 = %broadcast_in_dim3A_46) -> (vector<16xf32>, vector<16xf32>)  : i32 {
        %add3A_157 = vector.broadcast %scan3A_154 : i32 to vector<16xi32>
        %add3A_158 = arith.addi %iota3A, %add3A_157 : vector<16xi32>
        %and3A = arith.constant 15 : i32
        %and3A_159 = vector.broadcast %and3A : i32 to vector<16xi32>
        %and3A_160 = arith.andi %add3A_158, %and3A_159 : vector<16xi32>
        %scan3A_161 = arith.constant 0 : i32
        %mul3A_162 = arith.constant 16 : i32
        %mul3A_163 = arith.muli %scan3A_161, %mul3A_162 : i32
        %add3A_164 = vector.broadcast %mul3A_163 : i32 to vector<16xi32>
        %add3A_165 = arith.addi %and3A_160, %add3A_164 : vector<16xi32>
        %gather3A = tpu.vector_load_idx %arg9[%add3A_44, %add3A_165] : memref<128x128xi32, #tpu.memory_space<vmem>>[vector<16xi32>, vector<16xi32>], vector<16xi32>,
        %gather3A_166 = tpu.vector_load_idx %arg10[%add3A_44, %add3A_165] : memref<128x128xi32, #tpu.memory_space<vmem>>[vector<16xi32>, vector<16xi32>], vector<16xi32>,
        %bitcast3A = vector.bitcast %gather3A : vector<16xi32> to vector<32xbf16>
        %bitcast3A_167 = vector.bitcast %gather3A_166 : vector<16xi32> to vector<32xbf16>
        %mul3A_168 = arith.mulf %bitcast3A, %bitcast3A_167 : vector<32xbf16>
        %unpack3A = tpu.unpack_subelements %mul3A_168, 0 {pack_format = #tpu.pack_format<interleaved>} : vector<32xbf16> -> vector<16xf32>
        %unpack3A_169 = tpu.unpack_subelements %mul3A_168, 1 {pack_format = #tpu.pack_format<interleaved>} : vector<32xbf16> -> vector<16xf32>
        %add3A_170 = arith.addf %scan3A_155, %unpack3A : vector<16xf32>
        %add3A_171 = arith.addf %scan3A_156, %unpack3A_169 : vector<16xf32>
        %scan3A_172 = arith.constant 1 : i32
        %mul3A_173 = arith.constant 16 : i32
        %mul3A_174 = arith.muli %scan3A_172, %mul3A_173 : i32
        %add3A_175 = vector.broadcast %mul3A_174 : i32 to vector<16xi32>
        %add3A_176 = arith.addi %and3A_160, %add3A_175 : vector<16xi32>
        %gather3A_177 = tpu.vector_load_idx %arg9[%add3A_44, %add3A_176] : memref<128x128xi32, #tpu.memory_space<vmem>>[vector<16xi32>, vector<16xi32>], vector<16xi32>,
        %gather3A_178 = tpu.vector_load_idx %arg10[%add3A_44, %add3A_176] : memref<128x128xi32, #tpu.memory_space<vmem>>[vector<16xi32>, vector<16xi32>], vector<16xi32>,
        %bitcast3A_179 = vector.bitcast %gather3A_177 : vector<16xi32> to vector<32xbf16>
        %bitcast3A_180 = vector.bitcast %gather3A_178 : vector<16xi32> to vector<32xbf16>
        %mul3A_181 = arith.mulf %bitcast3A_179, %bitcast3A_180 : vector<32xbf16>
        %unpack3A_182 = tpu.unpack_subelements %mul3A_181, 0 {pack_format = #tpu.pack_format<interleaved>} : vector<32xbf16> -> vector<16xf32>
        %unpack3A_183 = tpu.unpack_subelements %mul3A_181, 1 {pack_format = #tpu.pack_format<interleaved>} : vector<32xbf16> -> vector<16xf32>
        %add3A_184 = arith.addf %add3A_170, %unpack3A_182 : vector<16xf32>
        %add3A_185 = arith.addf %add3A_171, %unpack3A_183 : vector<16xf32>
        %scan3A_186 = arith.constant 2 : i32
        %mul3A_187 = arith.constant 16 : i32
        %mul3A_188 = arith.muli %scan3A_186, %mul3A_187 : i32
        %add3A_189 = vector.broadcast %mul3A_188 : i32 to vector<16xi32>
        %add3A_190 = arith.addi %and3A_160, %add3A_189 : vector<16xi32>
        %gather3A_191 = tpu.vector_load_idx %arg9[%add3A_44, %add3A_190] : memref<128x128xi32, #tpu.memory_space<vmem>>[vector<16xi32>, vector<16xi32>], vector<16xi32>,
        %gather3A_192 = tpu.vector_load_idx %arg10[%add3A_44, %add3A_190] : memref<128x128xi32, #tpu.memory_space<vmem>>[vector<16xi32>, vector<16xi32>], vector<16xi32>,
        %bitcast3A_193 = vector.bitcast %gather3A_191 : vector<16xi32> to vector<32xbf16>
        %bitcast3A_194 = vector.bitcast %gather3A_192 : vector<16xi32> to vector<32xbf16>
        %mul3A_195 = arith.mulf %bitcast3A_193, %bitcast3A_194 : vector<32xbf16>
        %unpack3A_196 = tpu.unpack_subelements %mul3A_195, 0 {pack_format = #tpu.pack_format<interleaved>} : vector<32xbf16> -> vector<16xf32>
        %unpack3A_197 = tpu.unpack_subelements %mul3A_195, 1 {pack_format = #tpu.pack_format<interleaved>} : vector<32xbf16> -> vector<16xf32>
        %add3A_198 = arith.addf %add3A_184, %unpack3A_196 : vector<16xf32>
        %add3A_199 = arith.addf %add3A_185, %unpack3A_197 : vector<16xf32>
        %scan3A_200 = arith.constant 3 : i32
        %mul3A_201 = arith.constant 16 : i32
        %mul3A_202 = arith.muli %scan3A_200, %mul3A_201 : i32
        %add3A_203 = vector.broadcast %mul3A_202 : i32 to vector<16xi32>
        %add3A_204 = arith.addi %and3A_160, %add3A_203 : vector<16xi32>
        %gather3A_205 = tpu.vector_load_idx %arg9[%add3A_44, %add3A_204] : memref<128x128xi32, #tpu.memory_space<vmem>>[vector<16xi32>, vector<16xi32>], vector<16xi32>,
        %gather3A_206 = tpu.vector_load_idx %arg10[%add3A_44, %add3A_204] : memref<128x128xi32, #tpu.memory_space<vmem>>[vector<16xi32>, vector<16xi32>], vector<16xi32>,
        %bitcast3A_207 = vector.bitcast %gather3A_205 : vector<16xi32> to vector<32xbf16>
        %bitcast3A_208 = vector.bitcast %gather3A_206 : vector<16xi32> to vector<32xbf16>
        %mul3A_209 = arith.mulf %bitcast3A_207, %bitcast3A_208 : vector<32xbf16>
        %unpack3A_210 = tpu.unpack_subelements %mul3A_209, 0 {pack_format = #tpu.pack_format<interleaved>} : vector<32xbf16> -> vector<16xf32>
        %unpack3A_211 = tpu.unpack_subelements %mul3A_209, 1 {pack_format = #tpu.pack_format<interleaved>} : vector<32xbf16> -> vector<16xf32>
        %add3A_212 = arith.addf %add3A_198, %unpack3A_210 : vector<16xf32>
        %add3A_213 = arith.addf %add3A_199, %unpack3A_211 : vector<16xf32>
        %scan3A_214 = arith.constant 4 : i32
        %mul3A_215 = arith.constant 16 : i32
        %mul3A_216 = arith.muli %scan3A_214, %mul3A_215 : i32
        %add3A_217 = vector.broadcast %mul3A_216 : i32 to vector<16xi32>
        %add3A_218 = arith.addi %and3A_160, %add3A_217 : vector<16xi32>
        %gather3A_219 = tpu.vector_load_idx %arg9[%add3A_44, %add3A_218] : memref<128x128xi32, #tpu.memory_space<vmem>>[vector<16xi32>, vector<16xi32>], vector<16xi32>,
        %gather3A_220 = tpu.vector_load_idx %arg10[%add3A_44, %add3A_218] : memref<128x128xi32, #tpu.memory_space<vmem>>[vector<16xi32>, vector<16xi32>], vector<16xi32>,
        %bitcast3A_221 = vector.bitcast %gather3A_219 : vector<16xi32> to vector<32xbf16>
        %bitcast3A_222 = vector.bitcast %gather3A_220 : vector<16xi32> to vector<32xbf16>
        %mul3A_223 = arith.mulf %bitcast3A_221, %bitcast3A_222 : vector<32xbf16>
        %unpack3A_224 = tpu.unpack_subelements %mul3A_223, 0 {pack_format = #tpu.pack_format<interleaved>} : vector<32xbf16> -> vector<16xf32>
        %unpack3A_225 = tpu.unpack_subelements %mul3A_223, 1 {pack_format = #tpu.pack_format<interleaved>} : vector<32xbf16> -> vector<16xf32>
        %add3A_226 = arith.addf %add3A_212, %unpack3A_224 : vector<16xf32>
        %add3A_227 = arith.addf %add3A_213, %unpack3A_225 : vector<16xf32>
        %scan3A_228 = arith.constant 5 : i32
        %mul3A_229 = arith.constant 16 : i32
        %mul3A_230 = arith.muli %scan3A_228, %mul3A_229 : i32
        %add3A_231 = vector.broadcast %mul3A_230 : i32 to vector<16xi32>
        %add3A_232 = arith.addi %and3A_160, %add3A_231 : vector<16xi32>
        %gather3A_233 = tpu.vector_load_idx %arg9[%add3A_44, %add3A_232] : memref<128x128xi32, #tpu.memory_space<vmem>>[vector<16xi32>, vector<16xi32>], vector<16xi32>,
        %gather3A_234 = tpu.vector_load_idx %arg10[%add3A_44, %add3A_232] : memref<128x128xi32, #tpu.memory_space<vmem>>[vector<16xi32>, vector<16xi32>], vector<16xi32>,
        %bitcast3A_235 = vector.bitcast %gather3A_233 : vector<16xi32> to vector<32xbf16>
        %bitcast3A_236 = vector.bitcast %gather3A_234 : vector<16xi32> to vector<32xbf16>
        %mul3A_237 = arith.mulf %bitcast3A_235, %bitcast3A_236 : vector<32xbf16>
        %unpack3A_238 = tpu.unpack_subelements %mul3A_237, 0 {pack_format = #tpu.pack_format<interleaved>} : vector<32xbf16> -> vector<16xf32>
        %unpack3A_239 = tpu.unpack_subelements %mul3A_237, 1 {pack_format = #tpu.pack_format<interleaved>} : vector<32xbf16> -> vector<16xf32>
        %add3A_240 = arith.addf %add3A_226, %unpack3A_238 : vector<16xf32>
        %add3A_241 = arith.addf %add3A_227, %unpack3A_239 : vector<16xf32>
        %scan3A_242 = arith.constant 6 : i32
        %mul3A_243 = arith.constant 16 : i32
        %mul3A_244 = arith.muli %scan3A_242, %mul3A_243 : i32
        %add3A_245 = vector.broadcast %mul3A_244 : i32 to vector<16xi32>
        %add3A_246 = arith.addi %and3A_160, %add3A_245 : vector<16xi32>
        %gather3A_247 = tpu.vector_load_idx %arg9[%add3A_44, %add3A_246] : memref<128x128xi32, #tpu.memory_space<vmem>>[vector<16xi32>, vector<16xi32>], vector<16xi32>,
        %gather3A_248 = tpu.vector_load_idx %arg10[%add3A_44, %add3A_246] : memref<128x128xi32, #tpu.memory_space<vmem>>[vector<16xi32>, vector<16xi32>], vector<16xi32>,
        %bitcast3A_249 = vector.bitcast %gather3A_247 : vector<16xi32> to vector<32xbf16>
        %bitcast3A_250 = vector.bitcast %gather3A_248 : vector<16xi32> to vector<32xbf16>
        %mul3A_251 = arith.mulf %bitcast3A_249, %bitcast3A_250 : vector<32xbf16>
        %unpack3A_252 = tpu.unpack_subelements %mul3A_251, 0 {pack_format = #tpu.pack_format<interleaved>} : vector<32xbf16> -> vector<16xf32>
        %unpack3A_253 = tpu.unpack_subelements %mul3A_251, 1 {pack_format = #tpu.pack_format<interleaved>} : vector<32xbf16> -> vector<16xf32>
        %add3A_254 = arith.addf %add3A_240, %unpack3A_252 : vector<16xf32>
        %add3A_255 = arith.addf %add3A_241, %unpack3A_253 : vector<16xf32>
        %scan3A_256 = arith.constant 7 : i32
        %mul3A_257 = arith.constant 16 : i32
        %mul3A_258 = arith.muli %scan3A_256, %mul3A_257 : i32
        %add3A_259 = vector.broadcast %mul3A_258 : i32 to vector<16xi32>
        %add3A_260 = arith.addi %and3A_160, %add3A_259 : vector<16xi32>
        %gather3A_261 = tpu.vector_load_idx %arg9[%add3A_44, %add3A_260] : memref<128x128xi32, #tpu.memory_space<vmem>>[vector<16xi32>, vector<16xi32>], vector<16xi32>,
        %gather3A_262 = tpu.vector_load_idx %arg10[%add3A_44, %add3A_260] : memref<128x128xi32, #tpu.memory_space<vmem>>[vector<16xi32>, vector<16xi32>], vector<16xi32>,
        %bitcast3A_263 = vector.bitcast %gather3A_261 : vector<16xi32> to vector<32xbf16>
        %bitcast3A_264 = vector.bitcast %gather3A_262 : vector<16xi32> to vector<32xbf16>
        %mul3A_265 = arith.mulf %bitcast3A_263, %bitcast3A_264 : vector<32xbf16>
        %unpack3A_266 = tpu.unpack_subelements %mul3A_265, 0 {pack_format = #tpu.pack_format<interleaved>} : vector<32xbf16> -> vector<16xf32>
        %unpack3A_267 = tpu.unpack_subelements %mul3A_265, 1 {pack_format = #tpu.pack_format<interleaved>} : vector<32xbf16> -> vector<16xf32>
        %add3A_268 = arith.addf %add3A_254, %unpack3A_266 : vector<16xf32>
        %add3A_269 = arith.addf %add3A_255, %unpack3A_267 : vector<16xf32>
        %scan3A_270 = arith.constant 8 : i32
        scf.yield %add3A_268, %add3A_269 : vector<16xf32>, vector<16xf32>
      }
      %scan3A_52 = arith.constant 16 : i32
      %add3A_53 = arith.addf %scan3A_51#0, %scan3A_51#1 : vector<16xf32>
      %add3A_54 = arith.constant 16 : i32
      %add3A_55 = arith.addi %min3A_13, %add3A_54 : i32
      %swap3A_56 = arith.index_cast %add3A_55 : i32 to index
      %swap3A_57 = tpu.vector_load %arg11[%swap3A_56] {strides = array<i32>} : memref<5000xf32, #tpu.memory_space<vmem>>, vector<16xf32>,
      tpu.vector_store %arg11[%swap3A_56], %add3A_53 {strides = array<i32>} : memref<5000xf32, #tpu.memory_space<vmem>>, vector<16xf32>,
      %add3A_58 = arith.constant 32 : i32
      %add3A_59 = vector.broadcast %add3A_58 : i32 to vector<16xi32>
      %add3A_60 = arith.addi %add3A_59, %iota3A : vector<16xi32>
      %broadcast_in_dim3A_61 = arith.constant 0.000000e+00 : f32
      %broadcast_in_dim3A_62 = vector.broadcast %broadcast_in_dim3A_61 : f32 to vector<16xf32>
      %scan3A_63 = arith.constant 0 : i32
      %scan3A_64 = arith.constant 16 : i32
      %scan3A_65 = arith.addi %scan3A_63, %scan3A_64 : i32
      %scan3A_66 = arith.constant 1 : i32
      %scan3A_67:2 = scf.for %scan3A_154 = %scan3A_63 to %scan3A_65 step %scan3A_66 iter_args(%scan3A_155 = %broadcast_in_dim3A_62, %scan3A_156 = %broadcast_in_dim3A_62) -> (vector<16xf32>, vector<16xf32>)  : i32 {
        %add3A_157 = vector.broadcast %scan3A_154 : i32 to vector<16xi32>
        %add3A_158 = arith.addi %iota3A, %add3A_157 : vector<16xi32>
        %and3A = arith.constant 15 : i32
        %and3A_159 = vector.broadcast %and3A : i32 to vector<16xi32>
        %and3A_160 = arith.andi %add3A_158, %and3A_159 : vector<16xi32>
        %scan3A_161 = arith.constant 0 : i32
        %mul3A_162 = arith.constant 16 : i32
        %mul3A_163 = arith.muli %scan3A_161, %mul3A_162 : i32
        %add3A_164 = vector.broadcast %mul3A_163 : i32 to vector<16xi32>
        %add3A_165 = arith.addi %and3A_160, %add3A_164 : vector<16xi32>
        %gather3A = tpu.vector_load_idx %arg9[%add3A_60, %add3A_165] : memref<128x128xi32, #tpu.memory_space<vmem>>[vector<16xi32>, vector<16xi32>], vector<16xi32>,
        %gather3A_166 = tpu.vector_load_idx %arg10[%add3A_60, %add3A_165] : memref<128x128xi32, #tpu.memory_space<vmem>>[vector<16xi32>, vector<16xi32>], vector<16xi32>,
        %bitcast3A = vector.bitcast %gather3A : vector<16xi32> to vector<32xbf16>
        %bitcast3A_167 = vector.bitcast %gather3A_166 : vector<16xi32> to vector<32xbf16>
        %mul3A_168 = arith.mulf %bitcast3A, %bitcast3A_167 : vector<32xbf16>
        %unpack3A = tpu.unpack_subelements %mul3A_168, 0 {pack_format = #tpu.pack_format<interleaved>} : vector<32xbf16> -> vector<16xf32>
        %unpack3A_169 = tpu.unpack_subelements %mul3A_168, 1 {pack_format = #tpu.pack_format<interleaved>} : vector<32xbf16> -> vector<16xf32>
        %add3A_170 = arith.addf %scan3A_155, %unpack3A : vector<16xf32>
        %add3A_171 = arith.addf %scan3A_156, %unpack3A_169 : vector<16xf32>
        %scan3A_172 = arith.constant 1 : i32
        %mul3A_173 = arith.constant 16 : i32
        %mul3A_174 = arith.muli %scan3A_172, %mul3A_173 : i32
        %add3A_175 = vector.broadcast %mul3A_174 : i32 to vector<16xi32>
        %add3A_176 = arith.addi %and3A_160, %add3A_175 : vector<16xi32>
        %gather3A_177 = tpu.vector_load_idx %arg9[%add3A_60, %add3A_176] : memref<128x128xi32, #tpu.memory_space<vmem>>[vector<16xi32>, vector<16xi32>], vector<16xi32>,
        %gather3A_178 = tpu.vector_load_idx %arg10[%add3A_60, %add3A_176] : memref<128x128xi32, #tpu.memory_space<vmem>>[vector<16xi32>, vector<16xi32>], vector<16xi32>,
        %bitcast3A_179 = vector.bitcast %gather3A_177 : vector<16xi32> to vector<32xbf16>
        %bitcast3A_180 = vector.bitcast %gather3A_178 : vector<16xi32> to vector<32xbf16>
        %mul3A_181 = arith.mulf %bitcast3A_179, %bitcast3A_180 : vector<32xbf16>
        %unpack3A_182 = tpu.unpack_subelements %mul3A_181, 0 {pack_format = #tpu.pack_format<interleaved>} : vector<32xbf16> -> vector<16xf32>
        %unpack3A_183 = tpu.unpack_subelements %mul3A_181, 1 {pack_format = #tpu.pack_format<interleaved>} : vector<32xbf16> -> vector<16xf32>
        %add3A_184 = arith.addf %add3A_170, %unpack3A_182 : vector<16xf32>
        %add3A_185 = arith.addf %add3A_171, %unpack3A_183 : vector<16xf32>
        %scan3A_186 = arith.constant 2 : i32
        %mul3A_187 = arith.constant 16 : i32
        %mul3A_188 = arith.muli %scan3A_186, %mul3A_187 : i32
        %add3A_189 = vector.broadcast %mul3A_188 : i32 to vector<16xi32>
        %add3A_190 = arith.addi %and3A_160, %add3A_189 : vector<16xi32>
        %gather3A_191 = tpu.vector_load_idx %arg9[%add3A_60, %add3A_190] : memref<128x128xi32, #tpu.memory_space<vmem>>[vector<16xi32>, vector<16xi32>], vector<16xi32>,
        %gather3A_192 = tpu.vector_load_idx %arg10[%add3A_60, %add3A_190] : memref<128x128xi32, #tpu.memory_space<vmem>>[vector<16xi32>, vector<16xi32>], vector<16xi32>,
        %bitcast3A_193 = vector.bitcast %gather3A_191 : vector<16xi32> to vector<32xbf16>
        %bitcast3A_194 = vector.bitcast %gather3A_192 : vector<16xi32> to vector<32xbf16>
        %mul3A_195 = arith.mulf %bitcast3A_193, %bitcast3A_194 : vector<32xbf16>
        %unpack3A_196 = tpu.unpack_subelements %mul3A_195, 0 {pack_format = #tpu.pack_format<interleaved>} : vector<32xbf16> -> vector<16xf32>
        %unpack3A_197 = tpu.unpack_subelements %mul3A_195, 1 {pack_format = #tpu.pack_format<interleaved>} : vector<32xbf16> -> vector<16xf32>
        %add3A_198 = arith.addf %add3A_184, %unpack3A_196 : vector<16xf32>
        %add3A_199 = arith.addf %add3A_185, %unpack3A_197 : vector<16xf32>
        %scan3A_200 = arith.constant 3 : i32
        %mul3A_201 = arith.constant 16 : i32
        %mul3A_202 = arith.muli %scan3A_200, %mul3A_201 : i32
        %add3A_203 = vector.broadcast %mul3A_202 : i32 to vector<16xi32>
        %add3A_204 = arith.addi %and3A_160, %add3A_203 : vector<16xi32>
        %gather3A_205 = tpu.vector_load_idx %arg9[%add3A_60, %add3A_204] : memref<128x128xi32, #tpu.memory_space<vmem>>[vector<16xi32>, vector<16xi32>], vector<16xi32>,
        %gather3A_206 = tpu.vector_load_idx %arg10[%add3A_60, %add3A_204] : memref<128x128xi32, #tpu.memory_space<vmem>>[vector<16xi32>, vector<16xi32>], vector<16xi32>,
        %bitcast3A_207 = vector.bitcast %gather3A_205 : vector<16xi32> to vector<32xbf16>
        %bitcast3A_208 = vector.bitcast %gather3A_206 : vector<16xi32> to vector<32xbf16>
        %mul3A_209 = arith.mulf %bitcast3A_207, %bitcast3A_208 : vector<32xbf16>
        %unpack3A_210 = tpu.unpack_subelements %mul3A_209, 0 {pack_format = #tpu.pack_format<interleaved>} : vector<32xbf16> -> vector<16xf32>
        %unpack3A_211 = tpu.unpack_subelements %mul3A_209, 1 {pack_format = #tpu.pack_format<interleaved>} : vector<32xbf16> -> vector<16xf32>
        %add3A_212 = arith.addf %add3A_198, %unpack3A_210 : vector<16xf32>
        %add3A_213 = arith.addf %add3A_199, %unpack3A_211 : vector<16xf32>
        %scan3A_214 = arith.constant 4 : i32
        %mul3A_215 = arith.constant 16 : i32
        %mul3A_216 = arith.muli %scan3A_214, %mul3A_215 : i32
        %add3A_217 = vector.broadcast %mul3A_216 : i32 to vector<16xi32>
        %add3A_218 = arith.addi %and3A_160, %add3A_217 : vector<16xi32>
        %gather3A_219 = tpu.vector_load_idx %arg9[%add3A_60, %add3A_218] : memref<128x128xi32, #tpu.memory_space<vmem>>[vector<16xi32>, vector<16xi32>], vector<16xi32>,
        %gather3A_220 = tpu.vector_load_idx %arg10[%add3A_60, %add3A_218] : memref<128x128xi32, #tpu.memory_space<vmem>>[vector<16xi32>, vector<16xi32>], vector<16xi32>,
        %bitcast3A_221 = vector.bitcast %gather3A_219 : vector<16xi32> to vector<32xbf16>
        %bitcast3A_222 = vector.bitcast %gather3A_220 : vector<16xi32> to vector<32xbf16>
        %mul3A_223 = arith.mulf %bitcast3A_221, %bitcast3A_222 : vector<32xbf16>
        %unpack3A_224 = tpu.unpack_subelements %mul3A_223, 0 {pack_format = #tpu.pack_format<interleaved>} : vector<32xbf16> -> vector<16xf32>
        %unpack3A_225 = tpu.unpack_subelements %mul3A_223, 1 {pack_format = #tpu.pack_format<interleaved>} : vector<32xbf16> -> vector<16xf32>
        %add3A_226 = arith.addf %add3A_212, %unpack3A_224 : vector<16xf32>
        %add3A_227 = arith.addf %add3A_213, %unpack3A_225 : vector<16xf32>
        %scan3A_228 = arith.constant 5 : i32
        %mul3A_229 = arith.constant 16 : i32
        %mul3A_230 = arith.muli %scan3A_228, %mul3A_229 : i32
        %add3A_231 = vector.broadcast %mul3A_230 : i32 to vector<16xi32>
        %add3A_232 = arith.addi %and3A_160, %add3A_231 : vector<16xi32>
        %gather3A_233 = tpu.vector_load_idx %arg9[%add3A_60, %add3A_232] : memref<128x128xi32, #tpu.memory_space<vmem>>[vector<16xi32>, vector<16xi32>], vector<16xi32>,
        %gather3A_234 = tpu.vector_load_idx %arg10[%add3A_60, %add3A_232] : memref<128x128xi32, #tpu.memory_space<vmem>>[vector<16xi32>, vector<16xi32>], vector<16xi32>,
        %bitcast3A_235 = vector.bitcast %gather3A_233 : vector<16xi32> to vector<32xbf16>
        %bitcast3A_236 = vector.bitcast %gather3A_234 : vector<16xi32> to vector<32xbf16>
        %mul3A_237 = arith.mulf %bitcast3A_235, %bitcast3A_236 : vector<32xbf16>
        %unpack3A_238 = tpu.unpack_subelements %mul3A_237, 0 {pack_format = #tpu.pack_format<interleaved>} : vector<32xbf16> -> vector<16xf32>
        %unpack3A_239 = tpu.unpack_subelements %mul3A_237, 1 {pack_format = #tpu.pack_format<interleaved>} : vector<32xbf16> -> vector<16xf32>
        %add3A_240 = arith.addf %add3A_226, %unpack3A_238 : vector<16xf32>
        %add3A_241 = arith.addf %add3A_227, %unpack3A_239 : vector<16xf32>
        %scan3A_242 = arith.constant 6 : i32
        %mul3A_243 = arith.constant 16 : i32
        %mul3A_244 = arith.muli %scan3A_242, %mul3A_243 : i32
        %add3A_245 = vector.broadcast %mul3A_244 : i32 to vector<16xi32>
        %add3A_246 = arith.addi %and3A_160, %add3A_245 : vector<16xi32>
        %gather3A_247 = tpu.vector_load_idx %arg9[%add3A_60, %add3A_246] : memref<128x128xi32, #tpu.memory_space<vmem>>[vector<16xi32>, vector<16xi32>], vector<16xi32>,
        %gather3A_248 = tpu.vector_load_idx %arg10[%add3A_60, %add3A_246] : memref<128x128xi32, #tpu.memory_space<vmem>>[vector<16xi32>, vector<16xi32>], vector<16xi32>,
        %bitcast3A_249 = vector.bitcast %gather3A_247 : vector<16xi32> to vector<32xbf16>
        %bitcast3A_250 = vector.bitcast %gather3A_248 : vector<16xi32> to vector<32xbf16>
        %mul3A_251 = arith.mulf %bitcast3A_249, %bitcast3A_250 : vector<32xbf16>
        %unpack3A_252 = tpu.unpack_subelements %mul3A_251, 0 {pack_format = #tpu.pack_format<interleaved>} : vector<32xbf16> -> vector<16xf32>
        %unpack3A_253 = tpu.unpack_subelements %mul3A_251, 1 {pack_format = #tpu.pack_format<interleaved>} : vector<32xbf16> -> vector<16xf32>
        %add3A_254 = arith.addf %add3A_240, %unpack3A_252 : vector<16xf32>
        %add3A_255 = arith.addf %add3A_241, %unpack3A_253 : vector<16xf32>
        %scan3A_256 = arith.constant 7 : i32
        %mul3A_257 = arith.constant 16 : i32
        %mul3A_258 = arith.muli %scan3A_256, %mul3A_257 : i32
        %add3A_259 = vector.broadcast %mul3A_258 : i32 to vector<16xi32>
        %add3A_260 = arith.addi %and3A_160, %add3A_259 : vector<16xi32>
        %gather3A_261 = tpu.vector_load_idx %arg9[%add3A_60, %add3A_260] : memref<128x128xi32, #tpu.memory_space<vmem>>[vector<16xi32>, vector<16xi32>], vector<16xi32>,
        %gather3A_262 = tpu.vector_load_idx %arg10[%add3A_60, %add3A_260] : memref<128x128xi32, #tpu.memory_space<vmem>>[vector<16xi32>, vector<16xi32>], vector<16xi32>,
        %bitcast3A_263 = vector.bitcast %gather3A_261 : vector<16xi32> to vector<32xbf16>
        %bitcast3A_264 = vector.bitcast %gather3A_262 : vector<16xi32> to vector<32xbf16>
        %mul3A_265 = arith.mulf %bitcast3A_263, %bitcast3A_264 : vector<32xbf16>
        %unpack3A_266 = tpu.unpack_subelements %mul3A_265, 0 {pack_format = #tpu.pack_format<interleaved>} : vector<32xbf16> -> vector<16xf32>
        %unpack3A_267 = tpu.unpack_subelements %mul3A_265, 1 {pack_format = #tpu.pack_format<interleaved>} : vector<32xbf16> -> vector<16xf32>
        %add3A_268 = arith.addf %add3A_254, %unpack3A_266 : vector<16xf32>
        %add3A_269 = arith.addf %add3A_255, %unpack3A_267 : vector<16xf32>
        %scan3A_270 = arith.constant 8 : i32
        scf.yield %add3A_268, %add3A_269 : vector<16xf32>, vector<16xf32>
      }
      %scan3A_68 = arith.constant 16 : i32
      %add3A_69 = arith.addf %scan3A_67#0, %scan3A_67#1 : vector<16xf32>
      %add3A_70 = arith.constant 32 : i32
      %add3A_71 = arith.addi %min3A_13, %add3A_70 : i32
      %swap3A_72 = arith.index_cast %add3A_71 : i32 to index
      %swap3A_73 = tpu.vector_load %arg11[%swap3A_72] {strides = array<i32>} : memref<5000xf32, #tpu.memory_space<vmem>>, vector<16xf32>,
      tpu.vector_store %arg11[%swap3A_72], %add3A_69 {strides = array<i32>} : memref<5000xf32, #tpu.memory_space<vmem>>, vector<16xf32>,
      %add3A_74 = arith.constant 48 : i32
      %add3A_75 = vector.broadcast %add3A_74 : i32 to vector<16xi32>
      %add3A_76 = arith.addi %add3A_75, %iota3A : vector<16xi32>
      %broadcast_in_dim3A_77 = arith.constant 0.000000e+00 : f32
      %broadcast_in_dim3A_78 = vector.broadcast %broadcast_in_dim3A_77 : f32 to vector<16xf32>
      %scan3A_79 = arith.constant 0 : i32
      %scan3A_80 = arith.constant 16 : i32
      %scan3A_81 = arith.addi %scan3A_79, %scan3A_80 : i32
      %scan3A_82 = arith.constant 1 : i32
      %scan3A_83:2 = scf.for %scan3A_154 = %scan3A_79 to %scan3A_81 step %scan3A_82 iter_args(%scan3A_155 = %broadcast_in_dim3A_78, %scan3A_156 = %broadcast_in_dim3A_78) -> (vector<16xf32>, vector<16xf32>)  : i32 {
        %add3A_157 = vector.broadcast %scan3A_154 : i32 to vector<16xi32>
        %add3A_158 = arith.addi %iota3A, %add3A_157 : vector<16xi32>
        %and3A = arith.constant 15 : i32
        %and3A_159 = vector.broadcast %and3A : i32 to vector<16xi32>
        %and3A_160 = arith.andi %add3A_158, %and3A_159 : vector<16xi32>
        %scan3A_161 = arith.constant 0 : i32
        %mul3A_162 = arith.constant 16 : i32
        %mul3A_163 = arith.muli %scan3A_161, %mul3A_162 : i32
        %add3A_164 = vector.broadcast %mul3A_163 : i32 to vector<16xi32>
        %add3A_165 = arith.addi %and3A_160, %add3A_164 : vector<16xi32>
        %gather3A = tpu.vector_load_idx %arg9[%add3A_76, %add3A_165] : memref<128x128xi32, #tpu.memory_space<vmem>>[vector<16xi32>, vector<16xi32>], vector<16xi32>,
        %gather3A_166 = tpu.vector_load_idx %arg10[%add3A_76, %add3A_165] : memref<128x128xi32, #tpu.memory_space<vmem>>[vector<16xi32>, vector<16xi32>], vector<16xi32>,
        %bitcast3A = vector.bitcast %gather3A : vector<16xi32> to vector<32xbf16>
        %bitcast3A_167 = vector.bitcast %gather3A_166 : vector<16xi32> to vector<32xbf16>
        %mul3A_168 = arith.mulf %bitcast3A, %bitcast3A_167 : vector<32xbf16>
        %unpack3A = tpu.unpack_subelements %mul3A_168, 0 {pack_format = #tpu.pack_format<interleaved>} : vector<32xbf16> -> vector<16xf32>
        %unpack3A_169 = tpu.unpack_subelements %mul3A_168, 1 {pack_format = #tpu.pack_format<interleaved>} : vector<32xbf16> -> vector<16xf32>
        %add3A_170 = arith.addf %scan3A_155, %unpack3A : vector<16xf32>
        %add3A_171 = arith.addf %scan3A_156, %unpack3A_169 : vector<16xf32>
        %scan3A_172 = arith.constant 1 : i32
        %mul3A_173 = arith.constant 16 : i32
        %mul3A_174 = arith.muli %scan3A_172, %mul3A_173 : i32
        %add3A_175 = vector.broadcast %mul3A_174 : i32 to vector<16xi32>
        %add3A_176 = arith.addi %and3A_160, %add3A_175 : vector<16xi32>
        %gather3A_177 = tpu.vector_load_idx %arg9[%add3A_76, %add3A_176] : memref<128x128xi32, #tpu.memory_space<vmem>>[vector<16xi32>, vector<16xi32>], vector<16xi32>,
        %gather3A_178 = tpu.vector_load_idx %arg10[%add3A_76, %add3A_176] : memref<128x128xi32, #tpu.memory_space<vmem>>[vector<16xi32>, vector<16xi32>], vector<16xi32>,
        %bitcast3A_179 = vector.bitcast %gather3A_177 : vector<16xi32> to vector<32xbf16>
        %bitcast3A_180 = vector.bitcast %gather3A_178 : vector<16xi32> to vector<32xbf16>
        %mul3A_181 = arith.mulf %bitcast3A_179, %bitcast3A_180 : vector<32xbf16>
        %unpack3A_182 = tpu.unpack_subelements %mul3A_181, 0 {pack_format = #tpu.pack_format<interleaved>} : vector<32xbf16> -> vector<16xf32>
        %unpack3A_183 = tpu.unpack_subelements %mul3A_181, 1 {pack_format = #tpu.pack_format<interleaved>} : vector<32xbf16> -> vector<16xf32>
        %add3A_184 = arith.addf %add3A_170, %unpack3A_182 : vector<16xf32>
        %add3A_185 = arith.addf %add3A_171, %unpack3A_183 : vector<16xf32>
        %scan3A_186 = arith.constant 2 : i32
        %mul3A_187 = arith.constant 16 : i32
        %mul3A_188 = arith.muli %scan3A_186, %mul3A_187 : i32
        %add3A_189 = vector.broadcast %mul3A_188 : i32 to vector<16xi32>
        %add3A_190 = arith.addi %and3A_160, %add3A_189 : vector<16xi32>
        %gather3A_191 = tpu.vector_load_idx %arg9[%add3A_76, %add3A_190] : memref<128x128xi32, #tpu.memory_space<vmem>>[vector<16xi32>, vector<16xi32>], vector<16xi32>,
        %gather3A_192 = tpu.vector_load_idx %arg10[%add3A_76, %add3A_190] : memref<128x128xi32, #tpu.memory_space<vmem>>[vector<16xi32>, vector<16xi32>], vector<16xi32>,
        %bitcast3A_193 = vector.bitcast %gather3A_191 : vector<16xi32> to vector<32xbf16>
        %bitcast3A_194 = vector.bitcast %gather3A_192 : vector<16xi32> to vector<32xbf16>
        %mul3A_195 = arith.mulf %bitcast3A_193, %bitcast3A_194 : vector<32xbf16>
        %unpack3A_196 = tpu.unpack_subelements %mul3A_195, 0 {pack_format = #tpu.pack_format<interleaved>} : vector<32xbf16> -> vector<16xf32>
        %unpack3A_197 = tpu.unpack_subelements %mul3A_195, 1 {pack_format = #tpu.pack_format<interleaved>} : vector<32xbf16> -> vector<16xf32>
        %add3A_198 = arith.addf %add3A_184, %unpack3A_196 : vector<16xf32>
        %add3A_199 = arith.addf %add3A_185, %unpack3A_197 : vector<16xf32>
        %scan3A_200 = arith.constant 3 : i32
        %mul3A_201 = arith.constant 16 : i32
        %mul3A_202 = arith.muli %scan3A_200, %mul3A_201 : i32
        %add3A_203 = vector.broadcast %mul3A_202 : i32 to vector<16xi32>
        %add3A_204 = arith.addi %and3A_160, %add3A_203 : vector<16xi32>
        %gather3A_205 = tpu.vector_load_idx %arg9[%add3A_76, %add3A_204] : memref<128x128xi32, #tpu.memory_space<vmem>>[vector<16xi32>, vector<16xi32>], vector<16xi32>,
        %gather3A_206 = tpu.vector_load_idx %arg10[%add3A_76, %add3A_204] : memref<128x128xi32, #tpu.memory_space<vmem>>[vector<16xi32>, vector<16xi32>], vector<16xi32>,
        %bitcast3A_207 = vector.bitcast %gather3A_205 : vector<16xi32> to vector<32xbf16>
        %bitcast3A_208 = vector.bitcast %gather3A_206 : vector<16xi32> to vector<32xbf16>
        %mul3A_209 = arith.mulf %bitcast3A_207, %bitcast3A_208 : vector<32xbf16>
        %unpack3A_210 = tpu.unpack_subelements %mul3A_209, 0 {pack_format = #tpu.pack_format<interleaved>} : vector<32xbf16> -> vector<16xf32>
        %unpack3A_211 = tpu.unpack_subelements %mul3A_209, 1 {pack_format = #tpu.pack_format<interleaved>} : vector<32xbf16> -> vector<16xf32>
        %add3A_212 = arith.addf %add3A_198, %unpack3A_210 : vector<16xf32>
        %add3A_213 = arith.addf %add3A_199, %unpack3A_211 : vector<16xf32>
        %scan3A_214 = arith.constant 4 : i32
        %mul3A_215 = arith.constant 16 : i32
        %mul3A_216 = arith.muli %scan3A_214, %mul3A_215 : i32
        %add3A_217 = vector.broadcast %mul3A_216 : i32 to vector<16xi32>
        %add3A_218 = arith.addi %and3A_160, %add3A_217 : vector<16xi32>
        %gather3A_219 = tpu.vector_load_idx %arg9[%add3A_76, %add3A_218] : memref<128x128xi32, #tpu.memory_space<vmem>>[vector<16xi32>, vector<16xi32>], vector<16xi32>,
        %gather3A_220 = tpu.vector_load_idx %arg10[%add3A_76, %add3A_218] : memref<128x128xi32, #tpu.memory_space<vmem>>[vector<16xi32>, vector<16xi32>], vector<16xi32>,
        %bitcast3A_221 = vector.bitcast %gather3A_219 : vector<16xi32> to vector<32xbf16>
        %bitcast3A_222 = vector.bitcast %gather3A_220 : vector<16xi32> to vector<32xbf16>
        %mul3A_223 = arith.mulf %bitcast3A_221, %bitcast3A_222 : vector<32xbf16>
        %unpack3A_224 = tpu.unpack_subelements %mul3A_223, 0 {pack_format = #tpu.pack_format<interleaved>} : vector<32xbf16> -> vector<16xf32>
        %unpack3A_225 = tpu.unpack_subelements %mul3A_223, 1 {pack_format = #tpu.pack_format<interleaved>} : vector<32xbf16> -> vector<16xf32>
        %add3A_226 = arith.addf %add3A_212, %unpack3A_224 : vector<16xf32>
        %add3A_227 = arith.addf %add3A_213, %unpack3A_225 : vector<16xf32>
        %scan3A_228 = arith.constant 5 : i32
        %mul3A_229 = arith.constant 16 : i32
        %mul3A_230 = arith.muli %scan3A_228, %mul3A_229 : i32
        %add3A_231 = vector.broadcast %mul3A_230 : i32 to vector<16xi32>
        %add3A_232 = arith.addi %and3A_160, %add3A_231 : vector<16xi32>
        %gather3A_233 = tpu.vector_load_idx %arg9[%add3A_76, %add3A_232] : memref<128x128xi32, #tpu.memory_space<vmem>>[vector<16xi32>, vector<16xi32>], vector<16xi32>,
        %gather3A_234 = tpu.vector_load_idx %arg10[%add3A_76, %add3A_232] : memref<128x128xi32, #tpu.memory_space<vmem>>[vector<16xi32>, vector<16xi32>], vector<16xi32>,
        %bitcast3A_235 = vector.bitcast %gather3A_233 : vector<16xi32> to vector<32xbf16>
        %bitcast3A_236 = vector.bitcast %gather3A_234 : vector<16xi32> to vector<32xbf16>
        %mul3A_237 = arith.mulf %bitcast3A_235, %bitcast3A_236 : vector<32xbf16>
        %unpack3A_238 = tpu.unpack_subelements %mul3A_237, 0 {pack_format = #tpu.pack_format<interleaved>} : vector<32xbf16> -> vector<16xf32>
        %unpack3A_239 = tpu.unpack_subelements %mul3A_237, 1 {pack_format = #tpu.pack_format<interleaved>} : vector<32xbf16> -> vector<16xf32>
        %add3A_240 = arith.addf %add3A_226, %unpack3A_238 : vector<16xf32>
        %add3A_241 = arith.addf %add3A_227, %unpack3A_239 : vector<16xf32>
        %scan3A_242 = arith.constant 6 : i32
        %mul3A_243 = arith.constant 16 : i32
        %mul3A_244 = arith.muli %scan3A_242, %mul3A_243 : i32
        %add3A_245 = vector.broadcast %mul3A_244 : i32 to vector<16xi32>
        %add3A_246 = arith.addi %and3A_160, %add3A_245 : vector<16xi32>
        %gather3A_247 = tpu.vector_load_idx %arg9[%add3A_76, %add3A_246] : memref<128x128xi32, #tpu.memory_space<vmem>>[vector<16xi32>, vector<16xi32>], vector<16xi32>,
        %gather3A_248 = tpu.vector_load_idx %arg10[%add3A_76, %add3A_246] : memref<128x128xi32, #tpu.memory_space<vmem>>[vector<16xi32>, vector<16xi32>], vector<16xi32>,
        %bitcast3A_249 = vector.bitcast %gather3A_247 : vector<16xi32> to vector<32xbf16>
        %bitcast3A_250 = vector.bitcast %gather3A_248 : vector<16xi32> to vector<32xbf16>
        %mul3A_251 = arith.mulf %bitcast3A_249, %bitcast3A_250 : vector<32xbf16>
        %unpack3A_252 = tpu.unpack_subelements %mul3A_251, 0 {pack_format = #tpu.pack_format<interleaved>} : vector<32xbf16> -> vector<16xf32>
        %unpack3A_253 = tpu.unpack_subelements %mul3A_251, 1 {pack_format = #tpu.pack_format<interleaved>} : vector<32xbf16> -> vector<16xf32>
        %add3A_254 = arith.addf %add3A_240, %unpack3A_252 : vector<16xf32>
        %add3A_255 = arith.addf %add3A_241, %unpack3A_253 : vector<16xf32>
        %scan3A_256 = arith.constant 7 : i32
        %mul3A_257 = arith.constant 16 : i32
        %mul3A_258 = arith.muli %scan3A_256, %mul3A_257 : i32
        %add3A_259 = vector.broadcast %mul3A_258 : i32 to vector<16xi32>
        %add3A_260 = arith.addi %and3A_160, %add3A_259 : vector<16xi32>
        %gather3A_261 = tpu.vector_load_idx %arg9[%add3A_76, %add3A_260] : memref<128x128xi32, #tpu.memory_space<vmem>>[vector<16xi32>, vector<16xi32>], vector<16xi32>,
        %gather3A_262 = tpu.vector_load_idx %arg10[%add3A_76, %add3A_260] : memref<128x128xi32, #tpu.memory_space<vmem>>[vector<16xi32>, vector<16xi32>], vector<16xi32>,
        %bitcast3A_263 = vector.bitcast %gather3A_261 : vector<16xi32> to vector<32xbf16>
        %bitcast3A_264 = vector.bitcast %gather3A_262 : vector<16xi32> to vector<32xbf16>
        %mul3A_265 = arith.mulf %bitcast3A_263, %bitcast3A_264 : vector<32xbf16>
        %unpack3A_266 = tpu.unpack_subelements %mul3A_265, 0 {pack_format = #tpu.pack_format<interleaved>} : vector<32xbf16> -> vector<16xf32>
        %unpack3A_267 = tpu.unpack_subelements %mul3A_265, 1 {pack_format = #tpu.pack_format<interleaved>} : vector<32xbf16> -> vector<16xf32>
        %add3A_268 = arith.addf %add3A_254, %unpack3A_266 : vector<16xf32>
        %add3A_269 = arith.addf %add3A_255, %unpack3A_267 : vector<16xf32>
        %scan3A_270 = arith.constant 8 : i32
        scf.yield %add3A_268, %add3A_269 : vector<16xf32>, vector<16xf32>
      }
      %scan3A_84 = arith.constant 16 : i32
      %add3A_85 = arith.addf %scan3A_83#0, %scan3A_83#1 : vector<16xf32>
      %add3A_86 = arith.constant 48 : i32
      %add3A_87 = arith.addi %min3A_13, %add3A_86 : i32
      %swap3A_88 = arith.index_cast %add3A_87 : i32 to index
      %swap3A_89 = tpu.vector_load %arg11[%swap3A_88] {strides = array<i32>} : memref<5000xf32, #tpu.memory_space<vmem>>, vector<16xf32>,
      tpu.vector_store %arg11[%swap3A_88], %add3A_85 {strides = array<i32>} : memref<5000xf32, #tpu.memory_space<vmem>>, vector<16xf32>,
      %add3A_90 = arith.constant 64 : i32
      %add3A_91 = vector.broadcast %add3A_90 : i32 to vector<16xi32>
      %add3A_92 = arith.addi %add3A_91, %iota3A : vector<16xi32>
      %broadcast_in_dim3A_93 = arith.constant 0.000000e+00 : f32
      %broadcast_in_dim3A_94 = vector.broadcast %broadcast_in_dim3A_93 : f32 to vector<16xf32>
      %scan3A_95 = arith.constant 0 : i32
      %scan3A_96 = arith.constant 16 : i32
      %scan3A_97 = arith.addi %scan3A_95, %scan3A_96 : i32
      %scan3A_98 = arith.constant 1 : i32
      %scan3A_99:2 = scf.for %scan3A_154 = %scan3A_95 to %scan3A_97 step %scan3A_98 iter_args(%scan3A_155 = %broadcast_in_dim3A_94, %scan3A_156 = %broadcast_in_dim3A_94) -> (vector<16xf32>, vector<16xf32>)  : i32 {
        %add3A_157 = vector.broadcast %scan3A_154 : i32 to vector<16xi32>
        %add3A_158 = arith.addi %iota3A, %add3A_157 : vector<16xi32>
        %and3A = arith.constant 15 : i32
        %and3A_159 = vector.broadcast %and3A : i32 to vector<16xi32>
        %and3A_160 = arith.andi %add3A_158, %and3A_159 : vector<16xi32>
        %scan3A_161 = arith.constant 0 : i32
        %mul3A_162 = arith.constant 16 : i32
        %mul3A_163 = arith.muli %scan3A_161, %mul3A_162 : i32
        %add3A_164 = vector.broadcast %mul3A_163 : i32 to vector<16xi32>
        %add3A_165 = arith.addi %and3A_160, %add3A_164 : vector<16xi32>
        %gather3A = tpu.vector_load_idx %arg9[%add3A_92, %add3A_165] : memref<128x128xi32, #tpu.memory_space<vmem>>[vector<16xi32>, vector<16xi32>], vector<16xi32>,
        %gather3A_166 = tpu.vector_load_idx %arg10[%add3A_92, %add3A_165] : memref<128x128xi32, #tpu.memory_space<vmem>>[vector<16xi32>, vector<16xi32>], vector<16xi32>,
        %bitcast3A = vector.bitcast %gather3A : vector<16xi32> to vector<32xbf16>
        %bitcast3A_167 = vector.bitcast %gather3A_166 : vector<16xi32> to vector<32xbf16>
        %mul3A_168 = arith.mulf %bitcast3A, %bitcast3A_167 : vector<32xbf16>
        %unpack3A = tpu.unpack_subelements %mul3A_168, 0 {pack_format = #tpu.pack_format<interleaved>} : vector<32xbf16> -> vector<16xf32>
        %unpack3A_169 = tpu.unpack_subelements %mul3A_168, 1 {pack_format = #tpu.pack_format<interleaved>} : vector<32xbf16> -> vector<16xf32>
        %add3A_170 = arith.addf %scan3A_155, %unpack3A : vector<16xf32>
        %add3A_171 = arith.addf %scan3A_156, %unpack3A_169 : vector<16xf32>
        %scan3A_172 = arith.constant 1 : i32
        %mul3A_173 = arith.constant 16 : i32
        %mul3A_174 = arith.muli %scan3A_172, %mul3A_173 : i32
        %add3A_175 = vector.broadcast %mul3A_174 : i32 to vector<16xi32>
        %add3A_176 = arith.addi %and3A_160, %add3A_175 : vector<16xi32>
        %gather3A_177 = tpu.vector_load_idx %arg9[%add3A_92, %add3A_176] : memref<128x128xi32, #tpu.memory_space<vmem>>[vector<16xi32>, vector<16xi32>], vector<16xi32>,
        %gather3A_178 = tpu.vector_load_idx %arg10[%add3A_92, %add3A_176] : memref<128x128xi32, #tpu.memory_space<vmem>>[vector<16xi32>, vector<16xi32>], vector<16xi32>,
        %bitcast3A_179 = vector.bitcast %gather3A_177 : vector<16xi32> to vector<32xbf16>
        %bitcast3A_180 = vector.bitcast %gather3A_178 : vector<16xi32> to vector<32xbf16>
        %mul3A_181 = arith.mulf %bitcast3A_179, %bitcast3A_180 : vector<32xbf16>
        %unpack3A_182 = tpu.unpack_subelements %mul3A_181, 0 {pack_format = #tpu.pack_format<interleaved>} : vector<32xbf16> -> vector<16xf32>
        %unpack3A_183 = tpu.unpack_subelements %mul3A_181, 1 {pack_format = #tpu.pack_format<interleaved>} : vector<32xbf16> -> vector<16xf32>
        %add3A_184 = arith.addf %add3A_170, %unpack3A_182 : vector<16xf32>
        %add3A_185 = arith.addf %add3A_171, %unpack3A_183 : vector<16xf32>
        %scan3A_186 = arith.constant 2 : i32
        %mul3A_187 = arith.constant 16 : i32
        %mul3A_188 = arith.muli %scan3A_186, %mul3A_187 : i32
        %add3A_189 = vector.broadcast %mul3A_188 : i32 to vector<16xi32>
        %add3A_190 = arith.addi %and3A_160, %add3A_189 : vector<16xi32>
        %gather3A_191 = tpu.vector_load_idx %arg9[%add3A_92, %add3A_190] : memref<128x128xi32, #tpu.memory_space<vmem>>[vector<16xi32>, vector<16xi32>], vector<16xi32>,
        %gather3A_192 = tpu.vector_load_idx %arg10[%add3A_92, %add3A_190] : memref<128x128xi32, #tpu.memory_space<vmem>>[vector<16xi32>, vector<16xi32>], vector<16xi32>,
        %bitcast3A_193 = vector.bitcast %gather3A_191 : vector<16xi32> to vector<32xbf16>
        %bitcast3A_194 = vector.bitcast %gather3A_192 : vector<16xi32> to vector<32xbf16>
        %mul3A_195 = arith.mulf %bitcast3A_193, %bitcast3A_194 : vector<32xbf16>
        %unpack3A_196 = tpu.unpack_subelements %mul3A_195, 0 {pack_format = #tpu.pack_format<interleaved>} : vector<32xbf16> -> vector<16xf32>
        %unpack3A_197 = tpu.unpack_subelements %mul3A_195, 1 {pack_format = #tpu.pack_format<interleaved>} : vector<32xbf16> -> vector<16xf32>
        %add3A_198 = arith.addf %add3A_184, %unpack3A_196 : vector<16xf32>
        %add3A_199 = arith.addf %add3A_185, %unpack3A_197 : vector<16xf32>
        %scan3A_200 = arith.constant 3 : i32
        %mul3A_201 = arith.constant 16 : i32
        %mul3A_202 = arith.muli %scan3A_200, %mul3A_201 : i32
        %add3A_203 = vector.broadcast %mul3A_202 : i32 to vector<16xi32>
        %add3A_204 = arith.addi %and3A_160, %add3A_203 : vector<16xi32>
        %gather3A_205 = tpu.vector_load_idx %arg9[%add3A_92, %add3A_204] : memref<128x128xi32, #tpu.memory_space<vmem>>[vector<16xi32>, vector<16xi32>], vector<16xi32>,
        %gather3A_206 = tpu.vector_load_idx %arg10[%add3A_92, %add3A_204] : memref<128x128xi32, #tpu.memory_space<vmem>>[vector<16xi32>, vector<16xi32>], vector<16xi32>,
        %bitcast3A_207 = vector.bitcast %gather3A_205 : vector<16xi32> to vector<32xbf16>
        %bitcast3A_208 = vector.bitcast %gather3A_206 : vector<16xi32> to vector<32xbf16>
        %mul3A_209 = arith.mulf %bitcast3A_207, %bitcast3A_208 : vector<32xbf16>
        %unpack3A_210 = tpu.unpack_subelements %mul3A_209, 0 {pack_format = #tpu.pack_format<interleaved>} : vector<32xbf16> -> vector<16xf32>
        %unpack3A_211 = tpu.unpack_subelements %mul3A_209, 1 {pack_format = #tpu.pack_format<interleaved>} : vector<32xbf16> -> vector<16xf32>
        %add3A_212 = arith.addf %add3A_198, %unpack3A_210 : vector<16xf32>
        %add3A_213 = arith.addf %add3A_199, %unpack3A_211 : vector<16xf32>
        %scan3A_214 = arith.constant 4 : i32
        %mul3A_215 = arith.constant 16 : i32
        %mul3A_216 = arith.muli %scan3A_214, %mul3A_215 : i32
        %add3A_217 = vector.broadcast %mul3A_216 : i32 to vector<16xi32>
        %add3A_218 = arith.addi %and3A_160, %add3A_217 : vector<16xi32>
        %gather3A_219 = tpu.vector_load_idx %arg9[%add3A_92, %add3A_218] : memref<128x128xi32, #tpu.memory_space<vmem>>[vector<16xi32>, vector<16xi32>], vector<16xi32>,
        %gather3A_220 = tpu.vector_load_idx %arg10[%add3A_92, %add3A_218] : memref<128x128xi32, #tpu.memory_space<vmem>>[vector<16xi32>, vector<16xi32>], vector<16xi32>,
        %bitcast3A_221 = vector.bitcast %gather3A_219 : vector<16xi32> to vector<32xbf16>
        %bitcast3A_222 = vector.bitcast %gather3A_220 : vector<16xi32> to vector<32xbf16>
        %mul3A_223 = arith.mulf %bitcast3A_221, %bitcast3A_222 : vector<32xbf16>
        %unpack3A_224 = tpu.unpack_subelements %mul3A_223, 0 {pack_format = #tpu.pack_format<interleaved>} : vector<32xbf16> -> vector<16xf32>
        %unpack3A_225 = tpu.unpack_subelements %mul3A_223, 1 {pack_format = #tpu.pack_format<interleaved>} : vector<32xbf16> -> vector<16xf32>
        %add3A_226 = arith.addf %add3A_212, %unpack3A_224 : vector<16xf32>
        %add3A_227 = arith.addf %add3A_213, %unpack3A_225 : vector<16xf32>
        %scan3A_228 = arith.constant 5 : i32
        %mul3A_229 = arith.constant 16 : i32
        %mul3A_230 = arith.muli %scan3A_228, %mul3A_229 : i32
        %add3A_231 = vector.broadcast %mul3A_230 : i32 to vector<16xi32>
        %add3A_232 = arith.addi %and3A_160, %add3A_231 : vector<16xi32>
        %gather3A_233 = tpu.vector_load_idx %arg9[%add3A_92, %add3A_232] : memref<128x128xi32, #tpu.memory_space<vmem>>[vector<16xi32>, vector<16xi32>], vector<16xi32>,
        %gather3A_234 = tpu.vector_load_idx %arg10[%add3A_92, %add3A_232] : memref<128x128xi32, #tpu.memory_space<vmem>>[vector<16xi32>, vector<16xi32>], vector<16xi32>,
        %bitcast3A_235 = vector.bitcast %gather3A_233 : vector<16xi32> to vector<32xbf16>
        %bitcast3A_236 = vector.bitcast %gather3A_234 : vector<16xi32> to vector<32xbf16>
        %mul3A_237 = arith.mulf %bitcast3A_235, %bitcast3A_236 : vector<32xbf16>
        %unpack3A_238 = tpu.unpack_subelements %mul3A_237, 0 {pack_format = #tpu.pack_format<interleaved>} : vector<32xbf16> -> vector<16xf32>
        %unpack3A_239 = tpu.unpack_subelements %mul3A_237, 1 {pack_format = #tpu.pack_format<interleaved>} : vector<32xbf16> -> vector<16xf32>
        %add3A_240 = arith.addf %add3A_226, %unpack3A_238 : vector<16xf32>
        %add3A_241 = arith.addf %add3A_227, %unpack3A_239 : vector<16xf32>
        %scan3A_242 = arith.constant 6 : i32
        %mul3A_243 = arith.constant 16 : i32
        %mul3A_244 = arith.muli %scan3A_242, %mul3A_243 : i32
        %add3A_245 = vector.broadcast %mul3A_244 : i32 to vector<16xi32>
        %add3A_246 = arith.addi %and3A_160, %add3A_245 : vector<16xi32>
        %gather3A_247 = tpu.vector_load_idx %arg9[%add3A_92, %add3A_246] : memref<128x128xi32, #tpu.memory_space<vmem>>[vector<16xi32>, vector<16xi32>], vector<16xi32>,
        %gather3A_248 = tpu.vector_load_idx %arg10[%add3A_92, %add3A_246] : memref<128x128xi32, #tpu.memory_space<vmem>>[vector<16xi32>, vector<16xi32>], vector<16xi32>,
        %bitcast3A_249 = vector.bitcast %gather3A_247 : vector<16xi32> to vector<32xbf16>
        %bitcast3A_250 = vector.bitcast %gather3A_248 : vector<16xi32> to vector<32xbf16>
        %mul3A_251 = arith.mulf %bitcast3A_249, %bitcast3A_250 : vector<32xbf16>
        %unpack3A_252 = tpu.unpack_subelements %mul3A_251, 0 {pack_format = #tpu.pack_format<interleaved>} : vector<32xbf16> -> vector<16xf32>
        %unpack3A_253 = tpu.unpack_subelements %mul3A_251, 1 {pack_format = #tpu.pack_format<interleaved>} : vector<32xbf16> -> vector<16xf32>
        %add3A_254 = arith.addf %add3A_240, %unpack3A_252 : vector<16xf32>
        %add3A_255 = arith.addf %add3A_241, %unpack3A_253 : vector<16xf32>
        %scan3A_256 = arith.constant 7 : i32
        %mul3A_257 = arith.constant 16 : i32
        %mul3A_258 = arith.muli %scan3A_256, %mul3A_257 : i32
        %add3A_259 = vector.broadcast %mul3A_258 : i32 to vector<16xi32>
        %add3A_260 = arith.addi %and3A_160, %add3A_259 : vector<16xi32>
        %gather3A_261 = tpu.vector_load_idx %arg9[%add3A_92, %add3A_260] : memref<128x128xi32, #tpu.memory_space<vmem>>[vector<16xi32>, vector<16xi32>], vector<16xi32>,
        %gather3A_262 = tpu.vector_load_idx %arg10[%add3A_92, %add3A_260] : memref<128x128xi32, #tpu.memory_space<vmem>>[vector<16xi32>, vector<16xi32>], vector<16xi32>,
        %bitcast3A_263 = vector.bitcast %gather3A_261 : vector<16xi32> to vector<32xbf16>
        %bitcast3A_264 = vector.bitcast %gather3A_262 : vector<16xi32> to vector<32xbf16>
        %mul3A_265 = arith.mulf %bitcast3A_263, %bitcast3A_264 : vector<32xbf16>
        %unpack3A_266 = tpu.unpack_subelements %mul3A_265, 0 {pack_format = #tpu.pack_format<interleaved>} : vector<32xbf16> -> vector<16xf32>
        %unpack3A_267 = tpu.unpack_subelements %mul3A_265, 1 {pack_format = #tpu.pack_format<interleaved>} : vector<32xbf16> -> vector<16xf32>
        %add3A_268 = arith.addf %add3A_254, %unpack3A_266 : vector<16xf32>
        %add3A_269 = arith.addf %add3A_255, %unpack3A_267 : vector<16xf32>
        %scan3A_270 = arith.constant 8 : i32
        scf.yield %add3A_268, %add3A_269 : vector<16xf32>, vector<16xf32>
      }
      %scan3A_100 = arith.constant 16 : i32
      %add3A_101 = arith.addf %scan3A_99#0, %scan3A_99#1 : vector<16xf32>
      %add3A_102 = arith.constant 64 : i32
      %add3A_103 = arith.addi %min3A_13, %add3A_102 : i32
      %swap3A_104 = arith.index_cast %add3A_103 : i32 to index
      %swap3A_105 = tpu.vector_load %arg11[%swap3A_104] {strides = array<i32>} : memref<5000xf32, #tpu.memory_space<vmem>>, vector<16xf32>,
      tpu.vector_store %arg11[%swap3A_104], %add3A_101 {strides = array<i32>} : memref<5000xf32, #tpu.memory_space<vmem>>, vector<16xf32>,
      %add3A_106 = arith.constant 80 : i32
      %add3A_107 = vector.broadcast %add3A_106 : i32 to vector<16xi32>
      %add3A_108 = arith.addi %add3A_107, %iota3A : vector<16xi32>
      %broadcast_in_dim3A_109 = arith.constant 0.000000e+00 : f32
      %broadcast_in_dim3A_110 = vector.broadcast %broadcast_in_dim3A_109 : f32 to vector<16xf32>
      %scan3A_111 = arith.constant 0 : i32
      %scan3A_112 = arith.constant 16 : i32
      %scan3A_113 = arith.addi %scan3A_111, %scan3A_112 : i32
      %scan3A_114 = arith.constant 1 : i32
      %scan3A_115:2 = scf.for %scan3A_154 = %scan3A_111 to %scan3A_113 step %scan3A_114 iter_args(%scan3A_155 = %broadcast_in_dim3A_110, %scan3A_156 = %broadcast_in_dim3A_110) -> (vector<16xf32>, vector<16xf32>)  : i32 {
        %add3A_157 = vector.broadcast %scan3A_154 : i32 to vector<16xi32>
        %add3A_158 = arith.addi %iota3A, %add3A_157 : vector<16xi32>
        %and3A = arith.constant 15 : i32
        %and3A_159 = vector.broadcast %and3A : i32 to vector<16xi32>
        %and3A_160 = arith.andi %add3A_158, %and3A_159 : vector<16xi32>
        %scan3A_161 = arith.constant 0 : i32
        %mul3A_162 = arith.constant 16 : i32
        %mul3A_163 = arith.muli %scan3A_161, %mul3A_162 : i32
        %add3A_164 = vector.broadcast %mul3A_163 : i32 to vector<16xi32>
        %add3A_165 = arith.addi %and3A_160, %add3A_164 : vector<16xi32>
        %gather3A = tpu.vector_load_idx %arg9[%add3A_108, %add3A_165] : memref<128x128xi32, #tpu.memory_space<vmem>>[vector<16xi32>, vector<16xi32>], vector<16xi32>,
        %gather3A_166 = tpu.vector_load_idx %arg10[%add3A_108, %add3A_165] : memref<128x128xi32, #tpu.memory_space<vmem>>[vector<16xi32>, vector<16xi32>], vector<16xi32>,
        %bitcast3A = vector.bitcast %gather3A : vector<16xi32> to vector<32xbf16>
        %bitcast3A_167 = vector.bitcast %gather3A_166 : vector<16xi32> to vector<32xbf16>
        %mul3A_168 = arith.mulf %bitcast3A, %bitcast3A_167 : vector<32xbf16>
        %unpack3A = tpu.unpack_subelements %mul3A_168, 0 {pack_format = #tpu.pack_format<interleaved>} : vector<32xbf16> -> vector<16xf32>
        %unpack3A_169 = tpu.unpack_subelements %mul3A_168, 1 {pack_format = #tpu.pack_format<interleaved>} : vector<32xbf16> -> vector<16xf32>
        %add3A_170 = arith.addf %scan3A_155, %unpack3A : vector<16xf32>
        %add3A_171 = arith.addf %scan3A_156, %unpack3A_169 : vector<16xf32>
        %scan3A_172 = arith.constant 1 : i32
        %mul3A_173 = arith.constant 16 : i32
        %mul3A_174 = arith.muli %scan3A_172, %mul3A_173 : i32
        %add3A_175 = vector.broadcast %mul3A_174 : i32 to vector<16xi32>
        %add3A_176 = arith.addi %and3A_160, %add3A_175 : vector<16xi32>
        %gather3A_177 = tpu.vector_load_idx %arg9[%add3A_108, %add3A_176] : memref<128x128xi32, #tpu.memory_space<vmem>>[vector<16xi32>, vector<16xi32>], vector<16xi32>,
        %gather3A_178 = tpu.vector_load_idx %arg10[%add3A_108, %add3A_176] : memref<128x128xi32, #tpu.memory_space<vmem>>[vector<16xi32>, vector<16xi32>], vector<16xi32>,
        %bitcast3A_179 = vector.bitcast %gather3A_177 : vector<16xi32> to vector<32xbf16>
        %bitcast3A_180 = vector.bitcast %gather3A_178 : vector<16xi32> to vector<32xbf16>
        %mul3A_181 = arith.mulf %bitcast3A_179, %bitcast3A_180 : vector<32xbf16>
        %unpack3A_182 = tpu.unpack_subelements %mul3A_181, 0 {pack_format = #tpu.pack_format<interleaved>} : vector<32xbf16> -> vector<16xf32>
        %unpack3A_183 = tpu.unpack_subelements %mul3A_181, 1 {pack_format = #tpu.pack_format<interleaved>} : vector<32xbf16> -> vector<16xf32>
        %add3A_184 = arith.addf %add3A_170, %unpack3A_182 : vector<16xf32>
        %add3A_185 = arith.addf %add3A_171, %unpack3A_183 : vector<16xf32>
        %scan3A_186 = arith.constant 2 : i32
        %mul3A_187 = arith.constant 16 : i32
        %mul3A_188 = arith.muli %scan3A_186, %mul3A_187 : i32
        %add3A_189 = vector.broadcast %mul3A_188 : i32 to vector<16xi32>
        %add3A_190 = arith.addi %and3A_160, %add3A_189 : vector<16xi32>
        %gather3A_191 = tpu.vector_load_idx %arg9[%add3A_108, %add3A_190] : memref<128x128xi32, #tpu.memory_space<vmem>>[vector<16xi32>, vector<16xi32>], vector<16xi32>,
        %gather3A_192 = tpu.vector_load_idx %arg10[%add3A_108, %add3A_190] : memref<128x128xi32, #tpu.memory_space<vmem>>[vector<16xi32>, vector<16xi32>], vector<16xi32>,
        %bitcast3A_193 = vector.bitcast %gather3A_191 : vector<16xi32> to vector<32xbf16>
        %bitcast3A_194 = vector.bitcast %gather3A_192 : vector<16xi32> to vector<32xbf16>
        %mul3A_195 = arith.mulf %bitcast3A_193, %bitcast3A_194 : vector<32xbf16>
        %unpack3A_196 = tpu.unpack_subelements %mul3A_195, 0 {pack_format = #tpu.pack_format<interleaved>} : vector<32xbf16> -> vector<16xf32>
        %unpack3A_197 = tpu.unpack_subelements %mul3A_195, 1 {pack_format = #tpu.pack_format<interleaved>} : vector<32xbf16> -> vector<16xf32>
        %add3A_198 = arith.addf %add3A_184, %unpack3A_196 : vector<16xf32>
        %add3A_199 = arith.addf %add3A_185, %unpack3A_197 : vector<16xf32>
        %scan3A_200 = arith.constant 3 : i32
        %mul3A_201 = arith.constant 16 : i32
        %mul3A_202 = arith.muli %scan3A_200, %mul3A_201 : i32
        %add3A_203 = vector.broadcast %mul3A_202 : i32 to vector<16xi32>
        %add3A_204 = arith.addi %and3A_160, %add3A_203 : vector<16xi32>
        %gather3A_205 = tpu.vector_load_idx %arg9[%add3A_108, %add3A_204] : memref<128x128xi32, #tpu.memory_space<vmem>>[vector<16xi32>, vector<16xi32>], vector<16xi32>,
        %gather3A_206 = tpu.vector_load_idx %arg10[%add3A_108, %add3A_204] : memref<128x128xi32, #tpu.memory_space<vmem>>[vector<16xi32>, vector<16xi32>], vector<16xi32>,
        %bitcast3A_207 = vector.bitcast %gather3A_205 : vector<16xi32> to vector<32xbf16>
        %bitcast3A_208 = vector.bitcast %gather3A_206 : vector<16xi32> to vector<32xbf16>
        %mul3A_209 = arith.mulf %bitcast3A_207, %bitcast3A_208 : vector<32xbf16>
        %unpack3A_210 = tpu.unpack_subelements %mul3A_209, 0 {pack_format = #tpu.pack_format<interleaved>} : vector<32xbf16> -> vector<16xf32>
        %unpack3A_211 = tpu.unpack_subelements %mul3A_209, 1 {pack_format = #tpu.pack_format<interleaved>} : vector<32xbf16> -> vector<16xf32>
        %add3A_212 = arith.addf %add3A_198, %unpack3A_210 : vector<16xf32>
        %add3A_213 = arith.addf %add3A_199, %unpack3A_211 : vector<16xf32>
        %scan3A_214 = arith.constant 4 : i32
        %mul3A_215 = arith.constant 16 : i32
        %mul3A_216 = arith.muli %scan3A_214, %mul3A_215 : i32
        %add3A_217 = vector.broadcast %mul3A_216 : i32 to vector<16xi32>
        %add3A_218 = arith.addi %and3A_160, %add3A_217 : vector<16xi32>
        %gather3A_219 = tpu.vector_load_idx %arg9[%add3A_108, %add3A_218] : memref<128x128xi32, #tpu.memory_space<vmem>>[vector<16xi32>, vector<16xi32>], vector<16xi32>,
        %gather3A_220 = tpu.vector_load_idx %arg10[%add3A_108, %add3A_218] : memref<128x128xi32, #tpu.memory_space<vmem>>[vector<16xi32>, vector<16xi32>], vector<16xi32>,
        %bitcast3A_221 = vector.bitcast %gather3A_219 : vector<16xi32> to vector<32xbf16>
        %bitcast3A_222 = vector.bitcast %gather3A_220 : vector<16xi32> to vector<32xbf16>
        %mul3A_223 = arith.mulf %bitcast3A_221, %bitcast3A_222 : vector<32xbf16>
        %unpack3A_224 = tpu.unpack_subelements %mul3A_223, 0 {pack_format = #tpu.pack_format<interleaved>} : vector<32xbf16> -> vector<16xf32>
        %unpack3A_225 = tpu.unpack_subelements %mul3A_223, 1 {pack_format = #tpu.pack_format<interleaved>} : vector<32xbf16> -> vector<16xf32>
        %add3A_226 = arith.addf %add3A_212, %unpack3A_224 : vector<16xf32>
        %add3A_227 = arith.addf %add3A_213, %unpack3A_225 : vector<16xf32>
        %scan3A_228 = arith.constant 5 : i32
        %mul3A_229 = arith.constant 16 : i32
        %mul3A_230 = arith.muli %scan3A_228, %mul3A_229 : i32
        %add3A_231 = vector.broadcast %mul3A_230 : i32 to vector<16xi32>
        %add3A_232 = arith.addi %and3A_160, %add3A_231 : vector<16xi32>
        %gather3A_233 = tpu.vector_load_idx %arg9[%add3A_108, %add3A_232] : memref<128x128xi32, #tpu.memory_space<vmem>>[vector<16xi32>, vector<16xi32>], vector<16xi32>,
        %gather3A_234 = tpu.vector_load_idx %arg10[%add3A_108, %add3A_232] : memref<128x128xi32, #tpu.memory_space<vmem>>[vector<16xi32>, vector<16xi32>], vector<16xi32>,
        %bitcast3A_235 = vector.bitcast %gather3A_233 : vector<16xi32> to vector<32xbf16>
        %bitcast3A_236 = vector.bitcast %gather3A_234 : vector<16xi32> to vector<32xbf16>
        %mul3A_237 = arith.mulf %bitcast3A_235, %bitcast3A_236 : vector<32xbf16>
        %unpack3A_238 = tpu.unpack_subelements %mul3A_237, 0 {pack_format = #tpu.pack_format<interleaved>} : vector<32xbf16> -> vector<16xf32>
        %unpack3A_239 = tpu.unpack_subelements %mul3A_237, 1 {pack_format = #tpu.pack_format<interleaved>} : vector<32xbf16> -> vector<16xf32>
        %add3A_240 = arith.addf %add3A_226, %unpack3A_238 : vector<16xf32>
        %add3A_241 = arith.addf %add3A_227, %unpack3A_239 : vector<16xf32>
        %scan3A_242 = arith.constant 6 : i32
        %mul3A_243 = arith.constant 16 : i32
        %mul3A_244 = arith.muli %scan3A_242, %mul3A_243 : i32
        %add3A_245 = vector.broadcast %mul3A_244 : i32 to vector<16xi32>
        %add3A_246 = arith.addi %and3A_160, %add3A_245 : vector<16xi32>
        %gather3A_247 = tpu.vector_load_idx %arg9[%add3A_108, %add3A_246] : memref<128x128xi32, #tpu.memory_space<vmem>>[vector<16xi32>, vector<16xi32>], vector<16xi32>,
        %gather3A_248 = tpu.vector_load_idx %arg10[%add3A_108, %add3A_246] : memref<128x128xi32, #tpu.memory_space<vmem>>[vector<16xi32>, vector<16xi32>], vector<16xi32>,
        %bitcast3A_249 = vector.bitcast %gather3A_247 : vector<16xi32> to vector<32xbf16>
        %bitcast3A_250 = vector.bitcast %gather3A_248 : vector<16xi32> to vector<32xbf16>
        %mul3A_251 = arith.mulf %bitcast3A_249, %bitcast3A_250 : vector<32xbf16>
        %unpack3A_252 = tpu.unpack_subelements %mul3A_251, 0 {pack_format = #tpu.pack_format<interleaved>} : vector<32xbf16> -> vector<16xf32>
        %unpack3A_253 = tpu.unpack_subelements %mul3A_251, 1 {pack_format = #tpu.pack_format<interleaved>} : vector<32xbf16> -> vector<16xf32>
        %add3A_254 = arith.addf %add3A_240, %unpack3A_252 : vector<16xf32>
        %add3A_255 = arith.addf %add3A_241, %unpack3A_253 : vector<16xf32>
        %scan3A_256 = arith.constant 7 : i32
        %mul3A_257 = arith.constant 16 : i32
        %mul3A_258 = arith.muli %scan3A_256, %mul3A_257 : i32
        %add3A_259 = vector.broadcast %mul3A_258 : i32 to vector<16xi32>
        %add3A_260 = arith.addi %and3A_160, %add3A_259 : vector<16xi32>
        %gather3A_261 = tpu.vector_load_idx %arg9[%add3A_108, %add3A_260] : memref<128x128xi32, #tpu.memory_space<vmem>>[vector<16xi32>, vector<16xi32>], vector<16xi32>,
        %gather3A_262 = tpu.vector_load_idx %arg10[%add3A_108, %add3A_260] : memref<128x128xi32, #tpu.memory_space<vmem>>[vector<16xi32>, vector<16xi32>], vector<16xi32>,
        %bitcast3A_263 = vector.bitcast %gather3A_261 : vector<16xi32> to vector<32xbf16>
        %bitcast3A_264 = vector.bitcast %gather3A_262 : vector<16xi32> to vector<32xbf16>
        %mul3A_265 = arith.mulf %bitcast3A_263, %bitcast3A_264 : vector<32xbf16>
        %unpack3A_266 = tpu.unpack_subelements %mul3A_265, 0 {pack_format = #tpu.pack_format<interleaved>} : vector<32xbf16> -> vector<16xf32>
        %unpack3A_267 = tpu.unpack_subelements %mul3A_265, 1 {pack_format = #tpu.pack_format<interleaved>} : vector<32xbf16> -> vector<16xf32>
        %add3A_268 = arith.addf %add3A_254, %unpack3A_266 : vector<16xf32>
        %add3A_269 = arith.addf %add3A_255, %unpack3A_267 : vector<16xf32>
        %scan3A_270 = arith.constant 8 : i32
        scf.yield %add3A_268, %add3A_269 : vector<16xf32>, vector<16xf32>
      }
      %scan3A_116 = arith.constant 16 : i32
      %add3A_117 = arith.addf %scan3A_115#0, %scan3A_115#1 : vector<16xf32>
      %add3A_118 = arith.constant 80 : i32
      %add3A_119 = arith.addi %min3A_13, %add3A_118 : i32
      %swap3A_120 = arith.index_cast %add3A_119 : i32 to index
      %swap3A_121 = tpu.vector_load %arg11[%swap3A_120] {strides = array<i32>} : memref<5000xf32, #tpu.memory_space<vmem>>, vector<16xf32>,
      tpu.vector_store %arg11[%swap3A_120], %add3A_117 {strides = array<i32>} : memref<5000xf32, #tpu.memory_space<vmem>>, vector<16xf32>,
      %add3A_122 = arith.constant 96 : i32
      %add3A_123 = vector.broadcast %add3A_122 : i32 to vector<16xi32>
      %add3A_124 = arith.addi %add3A_123, %iota3A : vector<16xi32>
      %broadcast_in_dim3A_125 = arith.constant 0.000000e+00 : f32
      %broadcast_in_dim3A_126 = vector.broadcast %broadcast_in_dim3A_125 : f32 to vector<16xf32>
      %scan3A_127 = arith.constant 0 : i32
      %scan3A_128 = arith.constant 16 : i32
      %scan3A_129 = arith.addi %scan3A_127, %scan3A_128 : i32
      %scan3A_130 = arith.constant 1 : i32
      %scan3A_131:2 = scf.for %scan3A_154 = %scan3A_127 to %scan3A_129 step %scan3A_130 iter_args(%scan3A_155 = %broadcast_in_dim3A_126, %scan3A_156 = %broadcast_in_dim3A_126) -> (vector<16xf32>, vector<16xf32>)  : i32 {
        %add3A_157 = vector.broadcast %scan3A_154 : i32 to vector<16xi32>
        %add3A_158 = arith.addi %iota3A, %add3A_157 : vector<16xi32>
        %and3A = arith.constant 15 : i32
        %and3A_159 = vector.broadcast %and3A : i32 to vector<16xi32>
        %and3A_160 = arith.andi %add3A_158, %and3A_159 : vector<16xi32>
        %scan3A_161 = arith.constant 0 : i32
        %mul3A_162 = arith.constant 16 : i32
        %mul3A_163 = arith.muli %scan3A_161, %mul3A_162 : i32
        %add3A_164 = vector.broadcast %mul3A_163 : i32 to vector<16xi32>
        %add3A_165 = arith.addi %and3A_160, %add3A_164 : vector<16xi32>
        %gather3A = tpu.vector_load_idx %arg9[%add3A_124, %add3A_165] : memref<128x128xi32, #tpu.memory_space<vmem>>[vector<16xi32>, vector<16xi32>], vector<16xi32>,
        %gather3A_166 = tpu.vector_load_idx %arg10[%add3A_124, %add3A_165] : memref<128x128xi32, #tpu.memory_space<vmem>>[vector<16xi32>, vector<16xi32>], vector<16xi32>,
        %bitcast3A = vector.bitcast %gather3A : vector<16xi32> to vector<32xbf16>
        %bitcast3A_167 = vector.bitcast %gather3A_166 : vector<16xi32> to vector<32xbf16>
        %mul3A_168 = arith.mulf %bitcast3A, %bitcast3A_167 : vector<32xbf16>
        %unpack3A = tpu.unpack_subelements %mul3A_168, 0 {pack_format = #tpu.pack_format<interleaved>} : vector<32xbf16> -> vector<16xf32>
        %unpack3A_169 = tpu.unpack_subelements %mul3A_168, 1 {pack_format = #tpu.pack_format<interleaved>} : vector<32xbf16> -> vector<16xf32>
        %add3A_170 = arith.addf %scan3A_155, %unpack3A : vector<16xf32>
        %add3A_171 = arith.addf %scan3A_156, %unpack3A_169 : vector<16xf32>
        %scan3A_172 = arith.constant 1 : i32
        %mul3A_173 = arith.constant 16 : i32
        %mul3A_174 = arith.muli %scan3A_172, %mul3A_173 : i32
        %add3A_175 = vector.broadcast %mul3A_174 : i32 to vector<16xi32>
        %add3A_176 = arith.addi %and3A_160, %add3A_175 : vector<16xi32>
        %gather3A_177 = tpu.vector_load_idx %arg9[%add3A_124, %add3A_176] : memref<128x128xi32, #tpu.memory_space<vmem>>[vector<16xi32>, vector<16xi32>], vector<16xi32>,
        %gather3A_178 = tpu.vector_load_idx %arg10[%add3A_124, %add3A_176] : memref<128x128xi32, #tpu.memory_space<vmem>>[vector<16xi32>, vector<16xi32>], vector<16xi32>,
        %bitcast3A_179 = vector.bitcast %gather3A_177 : vector<16xi32> to vector<32xbf16>
        %bitcast3A_180 = vector.bitcast %gather3A_178 : vector<16xi32> to vector<32xbf16>
        %mul3A_181 = arith.mulf %bitcast3A_179, %bitcast3A_180 : vector<32xbf16>
        %unpack3A_182 = tpu.unpack_subelements %mul3A_181, 0 {pack_format = #tpu.pack_format<interleaved>} : vector<32xbf16> -> vector<16xf32>
        %unpack3A_183 = tpu.unpack_subelements %mul3A_181, 1 {pack_format = #tpu.pack_format<interleaved>} : vector<32xbf16> -> vector<16xf32>
        %add3A_184 = arith.addf %add3A_170, %unpack3A_182 : vector<16xf32>
        %add3A_185 = arith.addf %add3A_171, %unpack3A_183 : vector<16xf32>
        %scan3A_186 = arith.constant 2 : i32
        %mul3A_187 = arith.constant 16 : i32
        %mul3A_188 = arith.muli %scan3A_186, %mul3A_187 : i32
        %add3A_189 = vector.broadcast %mul3A_188 : i32 to vector<16xi32>
        %add3A_190 = arith.addi %and3A_160, %add3A_189 : vector<16xi32>
        %gather3A_191 = tpu.vector_load_idx %arg9[%add3A_124, %add3A_190] : memref<128x128xi32, #tpu.memory_space<vmem>>[vector<16xi32>, vector<16xi32>], vector<16xi32>,
        %gather3A_192 = tpu.vector_load_idx %arg10[%add3A_124, %add3A_190] : memref<128x128xi32, #tpu.memory_space<vmem>>[vector<16xi32>, vector<16xi32>], vector<16xi32>,
        %bitcast3A_193 = vector.bitcast %gather3A_191 : vector<16xi32> to vector<32xbf16>
        %bitcast3A_194 = vector.bitcast %gather3A_192 : vector<16xi32> to vector<32xbf16>
        %mul3A_195 = arith.mulf %bitcast3A_193, %bitcast3A_194 : vector<32xbf16>
        %unpack3A_196 = tpu.unpack_subelements %mul3A_195, 0 {pack_format = #tpu.pack_format<interleaved>} : vector<32xbf16> -> vector<16xf32>
        %unpack3A_197 = tpu.unpack_subelements %mul3A_195, 1 {pack_format = #tpu.pack_format<interleaved>} : vector<32xbf16> -> vector<16xf32>
        %add3A_198 = arith.addf %add3A_184, %unpack3A_196 : vector<16xf32>
        %add3A_199 = arith.addf %add3A_185, %unpack3A_197 : vector<16xf32>
        %scan3A_200 = arith.constant 3 : i32
        %mul3A_201 = arith.constant 16 : i32
        %mul3A_202 = arith.muli %scan3A_200, %mul3A_201 : i32
        %add3A_203 = vector.broadcast %mul3A_202 : i32 to vector<16xi32>
        %add3A_204 = arith.addi %and3A_160, %add3A_203 : vector<16xi32>
        %gather3A_205 = tpu.vector_load_idx %arg9[%add3A_124, %add3A_204] : memref<128x128xi32, #tpu.memory_space<vmem>>[vector<16xi32>, vector<16xi32>], vector<16xi32>,
        %gather3A_206 = tpu.vector_load_idx %arg10[%add3A_124, %add3A_204] : memref<128x128xi32, #tpu.memory_space<vmem>>[vector<16xi32>, vector<16xi32>], vector<16xi32>,
        %bitcast3A_207 = vector.bitcast %gather3A_205 : vector<16xi32> to vector<32xbf16>
        %bitcast3A_208 = vector.bitcast %gather3A_206 : vector<16xi32> to vector<32xbf16>
        %mul3A_209 = arith.mulf %bitcast3A_207, %bitcast3A_208 : vector<32xbf16>
        %unpack3A_210 = tpu.unpack_subelements %mul3A_209, 0 {pack_format = #tpu.pack_format<interleaved>} : vector<32xbf16> -> vector<16xf32>
        %unpack3A_211 = tpu.unpack_subelements %mul3A_209, 1 {pack_format = #tpu.pack_format<interleaved>} : vector<32xbf16> -> vector<16xf32>
        %add3A_212 = arith.addf %add3A_198, %unpack3A_210 : vector<16xf32>
        %add3A_213 = arith.addf %add3A_199, %unpack3A_211 : vector<16xf32>
        %scan3A_214 = arith.constant 4 : i32
        %mul3A_215 = arith.constant 16 : i32
        %mul3A_216 = arith.muli %scan3A_214, %mul3A_215 : i32
        %add3A_217 = vector.broadcast %mul3A_216 : i32 to vector<16xi32>
        %add3A_218 = arith.addi %and3A_160, %add3A_217 : vector<16xi32>
        %gather3A_219 = tpu.vector_load_idx %arg9[%add3A_124, %add3A_218] : memref<128x128xi32, #tpu.memory_space<vmem>>[vector<16xi32>, vector<16xi32>], vector<16xi32>,
        %gather3A_220 = tpu.vector_load_idx %arg10[%add3A_124, %add3A_218] : memref<128x128xi32, #tpu.memory_space<vmem>>[vector<16xi32>, vector<16xi32>], vector<16xi32>,
        %bitcast3A_221 = vector.bitcast %gather3A_219 : vector<16xi32> to vector<32xbf16>
        %bitcast3A_222 = vector.bitcast %gather3A_220 : vector<16xi32> to vector<32xbf16>
        %mul3A_223 = arith.mulf %bitcast3A_221, %bitcast3A_222 : vector<32xbf16>
        %unpack3A_224 = tpu.unpack_subelements %mul3A_223, 0 {pack_format = #tpu.pack_format<interleaved>} : vector<32xbf16> -> vector<16xf32>
        %unpack3A_225 = tpu.unpack_subelements %mul3A_223, 1 {pack_format = #tpu.pack_format<interleaved>} : vector<32xbf16> -> vector<16xf32>
        %add3A_226 = arith.addf %add3A_212, %unpack3A_224 : vector<16xf32>
        %add3A_227 = arith.addf %add3A_213, %unpack3A_225 : vector<16xf32>
        %scan3A_228 = arith.constant 5 : i32
        %mul3A_229 = arith.constant 16 : i32
        %mul3A_230 = arith.muli %scan3A_228, %mul3A_229 : i32
        %add3A_231 = vector.broadcast %mul3A_230 : i32 to vector<16xi32>
        %add3A_232 = arith.addi %and3A_160, %add3A_231 : vector<16xi32>
        %gather3A_233 = tpu.vector_load_idx %arg9[%add3A_124, %add3A_232] : memref<128x128xi32, #tpu.memory_space<vmem>>[vector<16xi32>, vector<16xi32>], vector<16xi32>,
        %gather3A_234 = tpu.vector_load_idx %arg10[%add3A_124, %add3A_232] : memref<128x128xi32, #tpu.memory_space<vmem>>[vector<16xi32>, vector<16xi32>], vector<16xi32>,
        %bitcast3A_235 = vector.bitcast %gather3A_233 : vector<16xi32> to vector<32xbf16>
        %bitcast3A_236 = vector.bitcast %gather3A_234 : vector<16xi32> to vector<32xbf16>
        %mul3A_237 = arith.mulf %bitcast3A_235, %bitcast3A_236 : vector<32xbf16>
        %unpack3A_238 = tpu.unpack_subelements %mul3A_237, 0 {pack_format = #tpu.pack_format<interleaved>} : vector<32xbf16> -> vector<16xf32>
        %unpack3A_239 = tpu.unpack_subelements %mul3A_237, 1 {pack_format = #tpu.pack_format<interleaved>} : vector<32xbf16> -> vector<16xf32>
        %add3A_240 = arith.addf %add3A_226, %unpack3A_238 : vector<16xf32>
        %add3A_241 = arith.addf %add3A_227, %unpack3A_239 : vector<16xf32>
        %scan3A_242 = arith.constant 6 : i32
        %mul3A_243 = arith.constant 16 : i32
        %mul3A_244 = arith.muli %scan3A_242, %mul3A_243 : i32
        %add3A_245 = vector.broadcast %mul3A_244 : i32 to vector<16xi32>
        %add3A_246 = arith.addi %and3A_160, %add3A_245 : vector<16xi32>
        %gather3A_247 = tpu.vector_load_idx %arg9[%add3A_124, %add3A_246] : memref<128x128xi32, #tpu.memory_space<vmem>>[vector<16xi32>, vector<16xi32>], vector<16xi32>,
        %gather3A_248 = tpu.vector_load_idx %arg10[%add3A_124, %add3A_246] : memref<128x128xi32, #tpu.memory_space<vmem>>[vector<16xi32>, vector<16xi32>], vector<16xi32>,
        %bitcast3A_249 = vector.bitcast %gather3A_247 : vector<16xi32> to vector<32xbf16>
        %bitcast3A_250 = vector.bitcast %gather3A_248 : vector<16xi32> to vector<32xbf16>
        %mul3A_251 = arith.mulf %bitcast3A_249, %bitcast3A_250 : vector<32xbf16>
        %unpack3A_252 = tpu.unpack_subelements %mul3A_251, 0 {pack_format = #tpu.pack_format<interleaved>} : vector<32xbf16> -> vector<16xf32>
        %unpack3A_253 = tpu.unpack_subelements %mul3A_251, 1 {pack_format = #tpu.pack_format<interleaved>} : vector<32xbf16> -> vector<16xf32>
        %add3A_254 = arith.addf %add3A_240, %unpack3A_252 : vector<16xf32>
        %add3A_255 = arith.addf %add3A_241, %unpack3A_253 : vector<16xf32>
        %scan3A_256 = arith.constant 7 : i32
        %mul3A_257 = arith.constant 16 : i32
        %mul3A_258 = arith.muli %scan3A_256, %mul3A_257 : i32
        %add3A_259 = vector.broadcast %mul3A_258 : i32 to vector<16xi32>
        %add3A_260 = arith.addi %and3A_160, %add3A_259 : vector<16xi32>
        %gather3A_261 = tpu.vector_load_idx %arg9[%add3A_124, %add3A_260] : memref<128x128xi32, #tpu.memory_space<vmem>>[vector<16xi32>, vector<16xi32>], vector<16xi32>,
        %gather3A_262 = tpu.vector_load_idx %arg10[%add3A_124, %add3A_260] : memref<128x128xi32, #tpu.memory_space<vmem>>[vector<16xi32>, vector<16xi32>], vector<16xi32>,
        %bitcast3A_263 = vector.bitcast %gather3A_261 : vector<16xi32> to vector<32xbf16>
        %bitcast3A_264 = vector.bitcast %gather3A_262 : vector<16xi32> to vector<32xbf16>
        %mul3A_265 = arith.mulf %bitcast3A_263, %bitcast3A_264 : vector<32xbf16>
        %unpack3A_266 = tpu.unpack_subelements %mul3A_265, 0 {pack_format = #tpu.pack_format<interleaved>} : vector<32xbf16> -> vector<16xf32>
        %unpack3A_267 = tpu.unpack_subelements %mul3A_265, 1 {pack_format = #tpu.pack_format<interleaved>} : vector<32xbf16> -> vector<16xf32>
        %add3A_268 = arith.addf %add3A_254, %unpack3A_266 : vector<16xf32>
        %add3A_269 = arith.addf %add3A_255, %unpack3A_267 : vector<16xf32>
        %scan3A_270 = arith.constant 8 : i32
        scf.yield %add3A_268, %add3A_269 : vector<16xf32>, vector<16xf32>
      }
      %scan3A_132 = arith.constant 16 : i32
      %add3A_133 = arith.addf %scan3A_131#0, %scan3A_131#1 : vector<16xf32>
      %add3A_134 = arith.constant 96 : i32
      %add3A_135 = arith.addi %min3A_13, %add3A_134 : i32
      %swap3A_136 = arith.index_cast %add3A_135 : i32 to index
      %swap3A_137 = tpu.vector_load %arg11[%swap3A_136] {strides = array<i32>} : memref<5000xf32, #tpu.memory_space<vmem>>, vector<16xf32>,
      tpu.vector_store %arg11[%swap3A_136], %add3A_133 {strides = array<i32>} : memref<5000xf32, #tpu.memory_space<vmem>>, vector<16xf32>,
      %add3A_138 = arith.constant 112 : i32
      %add3A_139 = vector.broadcast %add3A_138 : i32 to vector<16xi32>
      %add3A_140 = arith.addi %add3A_139, %iota3A : vector<16xi32>
      %broadcast_in_dim3A_141 = arith.constant 0.000000e+00 : f32
      %broadcast_in_dim3A_142 = vector.broadcast %broadcast_in_dim3A_141 : f32 to vector<16xf32>
      %scan3A_143 = arith.constant 0 : i32
      %scan3A_144 = arith.constant 16 : i32
      %scan3A_145 = arith.addi %scan3A_143, %scan3A_144 : i32
      %scan3A_146 = arith.constant 1 : i32
      %scan3A_147:2 = scf.for %scan3A_154 = %scan3A_143 to %scan3A_145 step %scan3A_146 iter_args(%scan3A_155 = %broadcast_in_dim3A_142, %scan3A_156 = %broadcast_in_dim3A_142) -> (vector<16xf32>, vector<16xf32>)  : i32 {
        %add3A_157 = vector.broadcast %scan3A_154 : i32 to vector<16xi32>
        %add3A_158 = arith.addi %iota3A, %add3A_157 : vector<16xi32>
        %and3A = arith.constant 15 : i32
        %and3A_159 = vector.broadcast %and3A : i32 to vector<16xi32>
        %and3A_160 = arith.andi %add3A_158, %and3A_159 : vector<16xi32>
        %scan3A_161 = arith.constant 0 : i32
        %mul3A_162 = arith.constant 16 : i32
        %mul3A_163 = arith.muli %scan3A_161, %mul3A_162 : i32
        %add3A_164 = vector.broadcast %mul3A_163 : i32 to vector<16xi32>
        %add3A_165 = arith.addi %and3A_160, %add3A_164 : vector<16xi32>
        %gather3A = tpu.vector_load_idx %arg9[%add3A_140, %add3A_165] : memref<128x128xi32, #tpu.memory_space<vmem>>[vector<16xi32>, vector<16xi32>], vector<16xi32>,
        %gather3A_166 = tpu.vector_load_idx %arg10[%add3A_140, %add3A_165] : memref<128x128xi32, #tpu.memory_space<vmem>>[vector<16xi32>, vector<16xi32>], vector<16xi32>,
        %bitcast3A = vector.bitcast %gather3A : vector<16xi32> to vector<32xbf16>
        %bitcast3A_167 = vector.bitcast %gather3A_166 : vector<16xi32> to vector<32xbf16>
        %mul3A_168 = arith.mulf %bitcast3A, %bitcast3A_167 : vector<32xbf16>
        %unpack3A = tpu.unpack_subelements %mul3A_168, 0 {pack_format = #tpu.pack_format<interleaved>} : vector<32xbf16> -> vector<16xf32>
        %unpack3A_169 = tpu.unpack_subelements %mul3A_168, 1 {pack_format = #tpu.pack_format<interleaved>} : vector<32xbf16> -> vector<16xf32>
        %add3A_170 = arith.addf %scan3A_155, %unpack3A : vector<16xf32>
        %add3A_171 = arith.addf %scan3A_156, %unpack3A_169 : vector<16xf32>
        %scan3A_172 = arith.constant 1 : i32
        %mul3A_173 = arith.constant 16 : i32
        %mul3A_174 = arith.muli %scan3A_172, %mul3A_173 : i32
        %add3A_175 = vector.broadcast %mul3A_174 : i32 to vector<16xi32>
        %add3A_176 = arith.addi %and3A_160, %add3A_175 : vector<16xi32>
        %gather3A_177 = tpu.vector_load_idx %arg9[%add3A_140, %add3A_176] : memref<128x128xi32, #tpu.memory_space<vmem>>[vector<16xi32>, vector<16xi32>], vector<16xi32>,
        %gather3A_178 = tpu.vector_load_idx %arg10[%add3A_140, %add3A_176] : memref<128x128xi32, #tpu.memory_space<vmem>>[vector<16xi32>, vector<16xi32>], vector<16xi32>,
        %bitcast3A_179 = vector.bitcast %gather3A_177 : vector<16xi32> to vector<32xbf16>
        %bitcast3A_180 = vector.bitcast %gather3A_178 : vector<16xi32> to vector<32xbf16>
        %mul3A_181 = arith.mulf %bitcast3A_179, %bitcast3A_180 : vector<32xbf16>
        %unpack3A_182 = tpu.unpack_subelements %mul3A_181, 0 {pack_format = #tpu.pack_format<interleaved>} : vector<32xbf16> -> vector<16xf32>
        %unpack3A_183 = tpu.unpack_subelements %mul3A_181, 1 {pack_format = #tpu.pack_format<interleaved>} : vector<32xbf16> -> vector<16xf32>
        %add3A_184 = arith.addf %add3A_170, %unpack3A_182 : vector<16xf32>
        %add3A_185 = arith.addf %add3A_171, %unpack3A_183 : vector<16xf32>
        %scan3A_186 = arith.constant 2 : i32
        %mul3A_187 = arith.constant 16 : i32
        %mul3A_188 = arith.muli %scan3A_186, %mul3A_187 : i32
        %add3A_189 = vector.broadcast %mul3A_188 : i32 to vector<16xi32>
        %add3A_190 = arith.addi %and3A_160, %add3A_189 : vector<16xi32>
        %gather3A_191 = tpu.vector_load_idx %arg9[%add3A_140, %add3A_190] : memref<128x128xi32, #tpu.memory_space<vmem>>[vector<16xi32>, vector<16xi32>], vector<16xi32>,
        %gather3A_192 = tpu.vector_load_idx %arg10[%add3A_140, %add3A_190] : memref<128x128xi32, #tpu.memory_space<vmem>>[vector<16xi32>, vector<16xi32>], vector<16xi32>,
        %bitcast3A_193 = vector.bitcast %gather3A_191 : vector<16xi32> to vector<32xbf16>
        %bitcast3A_194 = vector.bitcast %gather3A_192 : vector<16xi32> to vector<32xbf16>
        %mul3A_195 = arith.mulf %bitcast3A_193, %bitcast3A_194 : vector<32xbf16>
        %unpack3A_196 = tpu.unpack_subelements %mul3A_195, 0 {pack_format = #tpu.pack_format<interleaved>} : vector<32xbf16> -> vector<16xf32>
        %unpack3A_197 = tpu.unpack_subelements %mul3A_195, 1 {pack_format = #tpu.pack_format<interleaved>} : vector<32xbf16> -> vector<16xf32>
        %add3A_198 = arith.addf %add3A_184, %unpack3A_196 : vector<16xf32>
        %add3A_199 = arith.addf %add3A_185, %unpack3A_197 : vector<16xf32>
        %scan3A_200 = arith.constant 3 : i32
        %mul3A_201 = arith.constant 16 : i32
        %mul3A_202 = arith.muli %scan3A_200, %mul3A_201 : i32
        %add3A_203 = vector.broadcast %mul3A_202 : i32 to vector<16xi32>
        %add3A_204 = arith.addi %and3A_160, %add3A_203 : vector<16xi32>
        %gather3A_205 = tpu.vector_load_idx %arg9[%add3A_140, %add3A_204] : memref<128x128xi32, #tpu.memory_space<vmem>>[vector<16xi32>, vector<16xi32>], vector<16xi32>,
        %gather3A_206 = tpu.vector_load_idx %arg10[%add3A_140, %add3A_204] : memref<128x128xi32, #tpu.memory_space<vmem>>[vector<16xi32>, vector<16xi32>], vector<16xi32>,
        %bitcast3A_207 = vector.bitcast %gather3A_205 : vector<16xi32> to vector<32xbf16>
        %bitcast3A_208 = vector.bitcast %gather3A_206 : vector<16xi32> to vector<32xbf16>
        %mul3A_209 = arith.mulf %bitcast3A_207, %bitcast3A_208 : vector<32xbf16>
        %unpack3A_210 = tpu.unpack_subelements %mul3A_209, 0 {pack_format = #tpu.pack_format<interleaved>} : vector<32xbf16> -> vector<16xf32>
        %unpack3A_211 = tpu.unpack_subelements %mul3A_209, 1 {pack_format = #tpu.pack_format<interleaved>} : vector<32xbf16> -> vector<16xf32>
        %add3A_212 = arith.addf %add3A_198, %unpack3A_210 : vector<16xf32>
        %add3A_213 = arith.addf %add3A_199, %unpack3A_211 : vector<16xf32>
        %scan3A_214 = arith.constant 4 : i32
        %mul3A_215 = arith.constant 16 : i32
        %mul3A_216 = arith.muli %scan3A_214, %mul3A_215 : i32
        %add3A_217 = vector.broadcast %mul3A_216 : i32 to vector<16xi32>
        %add3A_218 = arith.addi %and3A_160, %add3A_217 : vector<16xi32>
        %gather3A_219 = tpu.vector_load_idx %arg9[%add3A_140, %add3A_218] : memref<128x128xi32, #tpu.memory_space<vmem>>[vector<16xi32>, vector<16xi32>], vector<16xi32>,
        %gather3A_220 = tpu.vector_load_idx %arg10[%add3A_140, %add3A_218] : memref<128x128xi32, #tpu.memory_space<vmem>>[vector<16xi32>, vector<16xi32>], vector<16xi32>,
        %bitcast3A_221 = vector.bitcast %gather3A_219 : vector<16xi32> to vector<32xbf16>
        %bitcast3A_222 = vector.bitcast %gather3A_220 : vector<16xi32> to vector<32xbf16>
        %mul3A_223 = arith.mulf %bitcast3A_221, %bitcast3A_222 : vector<32xbf16>
        %unpack3A_224 = tpu.unpack_subelements %mul3A_223, 0 {pack_format = #tpu.pack_format<interleaved>} : vector<32xbf16> -> vector<16xf32>
        %unpack3A_225 = tpu.unpack_subelements %mul3A_223, 1 {pack_format = #tpu.pack_format<interleaved>} : vector<32xbf16> -> vector<16xf32>
        %add3A_226 = arith.addf %add3A_212, %unpack3A_224 : vector<16xf32>
        %add3A_227 = arith.addf %add3A_213, %unpack3A_225 : vector<16xf32>
        %scan3A_228 = arith.constant 5 : i32
        %mul3A_229 = arith.constant 16 : i32
        %mul3A_230 = arith.muli %scan3A_228, %mul3A_229 : i32
        %add3A_231 = vector.broadcast %mul3A_230 : i32 to vector<16xi32>
        %add3A_232 = arith.addi %and3A_160, %add3A_231 : vector<16xi32>
        %gather3A_233 = tpu.vector_load_idx %arg9[%add3A_140, %add3A_232] : memref<128x128xi32, #tpu.memory_space<vmem>>[vector<16xi32>, vector<16xi32>], vector<16xi32>,
        %gather3A_234 = tpu.vector_load_idx %arg10[%add3A_140, %add3A_232] : memref<128x128xi32, #tpu.memory_space<vmem>>[vector<16xi32>, vector<16xi32>], vector<16xi32>,
        %bitcast3A_235 = vector.bitcast %gather3A_233 : vector<16xi32> to vector<32xbf16>
        %bitcast3A_236 = vector.bitcast %gather3A_234 : vector<16xi32> to vector<32xbf16>
        %mul3A_237 = arith.mulf %bitcast3A_235, %bitcast3A_236 : vector<32xbf16>
        %unpack3A_238 = tpu.unpack_subelements %mul3A_237, 0 {pack_format = #tpu.pack_format<interleaved>} : vector<32xbf16> -> vector<16xf32>
        %unpack3A_239 = tpu.unpack_subelements %mul3A_237, 1 {pack_format = #tpu.pack_format<interleaved>} : vector<32xbf16> -> vector<16xf32>
        %add3A_240 = arith.addf %add3A_226, %unpack3A_238 : vector<16xf32>
        %add3A_241 = arith.addf %add3A_227, %unpack3A_239 : vector<16xf32>
        %scan3A_242 = arith.constant 6 : i32
        %mul3A_243 = arith.constant 16 : i32
        %mul3A_244 = arith.muli %scan3A_242, %mul3A_243 : i32
        %add3A_245 = vector.broadcast %mul3A_244 : i32 to vector<16xi32>
        %add3A_246 = arith.addi %and3A_160, %add3A_245 : vector<16xi32>
        %gather3A_247 = tpu.vector_load_idx %arg9[%add3A_140, %add3A_246] : memref<128x128xi32, #tpu.memory_space<vmem>>[vector<16xi32>, vector<16xi32>], vector<16xi32>,
        %gather3A_248 = tpu.vector_load_idx %arg10[%add3A_140, %add3A_246] : memref<128x128xi32, #tpu.memory_space<vmem>>[vector<16xi32>, vector<16xi32>], vector<16xi32>,
        %bitcast3A_249 = vector.bitcast %gather3A_247 : vector<16xi32> to vector<32xbf16>
        %bitcast3A_250 = vector.bitcast %gather3A_248 : vector<16xi32> to vector<32xbf16>
        %mul3A_251 = arith.mulf %bitcast3A_249, %bitcast3A_250 : vector<32xbf16>
        %unpack3A_252 = tpu.unpack_subelements %mul3A_251, 0 {pack_format = #tpu.pack_format<interleaved>} : vector<32xbf16> -> vector<16xf32>
        %unpack3A_253 = tpu.unpack_subelements %mul3A_251, 1 {pack_format = #tpu.pack_format<interleaved>} : vector<32xbf16> -> vector<16xf32>
        %add3A_254 = arith.addf %add3A_240, %unpack3A_252 : vector<16xf32>
        %add3A_255 = arith.addf %add3A_241, %unpack3A_253 : vector<16xf32>
        %scan3A_256 = arith.constant 7 : i32
        %mul3A_257 = arith.constant 16 : i32
        %mul3A_258 = arith.muli %scan3A_256, %mul3A_257 : i32
        %add3A_259 = vector.broadcast %mul3A_258 : i32 to vector<16xi32>
        %add3A_260 = arith.addi %and3A_160, %add3A_259 : vector<16xi32>
        %gather3A_261 = tpu.vector_load_idx %arg9[%add3A_140, %add3A_260] : memref<128x128xi32, #tpu.memory_space<vmem>>[vector<16xi32>, vector<16xi32>], vector<16xi32>,
        %gather3A_262 = tpu.vector_load_idx %arg10[%add3A_140, %add3A_260] : memref<128x128xi32, #tpu.memory_space<vmem>>[vector<16xi32>, vector<16xi32>], vector<16xi32>,
        %bitcast3A_263 = vector.bitcast %gather3A_261 : vector<16xi32> to vector<32xbf16>
        %bitcast3A_264 = vector.bitcast %gather3A_262 : vector<16xi32> to vector<32xbf16>
        %mul3A_265 = arith.mulf %bitcast3A_263, %bitcast3A_264 : vector<32xbf16>
        %unpack3A_266 = tpu.unpack_subelements %mul3A_265, 0 {pack_format = #tpu.pack_format<interleaved>} : vector<32xbf16> -> vector<16xf32>
        %unpack3A_267 = tpu.unpack_subelements %mul3A_265, 1 {pack_format = #tpu.pack_format<interleaved>} : vector<32xbf16> -> vector<16xf32>
        %add3A_268 = arith.addf %add3A_254, %unpack3A_266 : vector<16xf32>
        %add3A_269 = arith.addf %add3A_255, %unpack3A_267 : vector<16xf32>
        %scan3A_270 = arith.constant 8 : i32
        scf.yield %add3A_268, %add3A_269 : vector<16xf32>, vector<16xf32>
      }
      %scan3A_148 = arith.constant 16 : i32
      %add3A_149 = arith.addf %scan3A_147#0, %scan3A_147#1 : vector<16xf32>
      %add3A_150 = arith.constant 112 : i32
      %add3A_151 = arith.addi %min3A_13, %add3A_150 : i32
      %swap3A_152 = arith.index_cast %add3A_151 : i32 to index
      %swap3A_153 = tpu.vector_load %arg11[%swap3A_152] {strides = array<i32>} : memref<5000xf32, #tpu.memory_space<vmem>>, vector<16xf32>,
      tpu.vector_store %arg11[%swap3A_152], %add3A_149 {strides = array<i32>} : memref<5000xf32, #tpu.memory_space<vmem>>, vector<16xf32>,
    }
    %scan3A_9 = arith.constant 40 : i32
    "tpu.region"() ({
      %run_scoped3A = tpu.sem_alloc : memref<!tpu.dma_semaphore, #tpu.memory_space<semaphore_mem>>
      %dma_start3A = tpu.memref_slice %arg5[%mul3A_4] : memref<160000xf32, #tpu.memory_space<hbm>> -> memref<5000xf32, #tpu.memory_space<hbm>>
      %dma_start3A_10 = tpu.memref_slice %arg5[%mul3A_4] : memref<160000xf32, #tpu.memory_space<hbm>> -> memref<5000xf32, #tpu.memory_space<hbm>>
      tpu.enqueue_dma source(%arg11 : memref<5000xf32, #tpu.memory_space<vmem>>) target(%dma_start3A_10 : memref<5000xf32, #tpu.memory_space<hbm>>) target_semaphore(%run_scoped3A : memref<!tpu.dma_semaphore, #tpu.memory_space<semaphore_mem>>)
      %dma_wait3A = tpu.memref_slice %arg5[%mul3A_4] : memref<160000xf32, #tpu.memory_space<hbm>> -> memref<5000xf32, #tpu.memory_space<hbm>>
      %dma_wait3A_11 = tpu.memref_slice %arg5[%mul3A_4] : memref<160000xf32, #tpu.memory_space<hbm>> -> memref<5000xf32, #tpu.memory_space<hbm>>
      tpu.wait_dma2 semaphore(%run_scoped3A : memref<!tpu.dma_semaphore, #tpu.memory_space<semaphore_mem>>) src(%arg11 : memref<5000xf32, #tpu.memory_space<vmem>>) dst(%dma_wait3A_11 : memref<5000xf32, #tpu.memory_space<hbm>>)
      tpu.yield
    }) : () -> ()
    return
  }
}

</mosaic_0001>

<sc_bundles>
// kernel: kernel.3.cloned.1.call-start
scs
__scs_entry_jumppad:
0x0: {  	(pc) =	sbr.rel $0x88, $3  }
0x1: {  	(tag) =	ssettag $0x0;
	lr =	simm.s32 $0x1  }
0x2: {  	[smem:$0x3F9F] =	sst lr;
	_ =	strace $0xD0000000  }
0x3: {  	_ = 	snop  }
0x4: {  	_ = 	snop  }
0x5: {  	_ = 	snop  }
0x6: {  	_ = 	snop  }
0x7: {  	_ = 	snop  }
__scs_overlays_trampoline_lowered:
0x8: {  	[smem:$0x3FAE] =	sst s0  }
0x9: {  	[smem:$0x3FAF] =	sst s1  }
0xa: {  	[smem:$0x3FB0] =	sst s2  }
0xb: {  	[smem:$0x3FB1] =	sst s3  }
0xc: {  	[smem:$0x3FB2] =	sst s4  }
0xd: {  	[smem:$0x3FB3] =	sst s5  }
0xe: {  	[smem:$0x3FB4] =	sst s6  }
0xf: {  	[smem:$0x3FB5] =	sst s7  }
0x10: {  	[smem:$0x3FB6] =	sst s8  }
0x11: {  	[smem:$0x3FB7] =	sst s9;
	s0 =	simm.s32 @!p0 $0x0  }
0x12: {  	s1 =	sld [smem:$0x3F9D];
	s0 =	simm.s32 @p0 $0x1  }
0x13: {  	[smem:$0x3FB8] =	sst s0;
	s0 =	simm.s32 @!p1 $0x0  }
0x14: {  	s2 =	sld [smem:$0x3F9C];
	s0 =	simm.s32 @p1 $0x1  }
0x15: {  	[smem:$0x3FB9] =	sst s0;
	s0 =	simm.s32 @!p2 $0x0  }
0x16: {  	s3 =	sld [smem:$0x3FDB];
	s0 =	simm.s32 @p2 $0x1  }
0x17: {  	s4 =	simm.s32 $0x1BF5;
	[smem:$0x3FBB] =	sst s0  }
0x18: {  	s0 =	sld [smem:$0x3F9E];
	_ =	swait.ge [sflag:s4], $0x0  }
0x19: {  	s7 =	sld [smem:$0x3F9F]  }
0x1a: {  	s8 =	sadd.s32 $0xFFFFE003, lr  }
0x1b: {  	s9 =	sadd.s32 $0xFFFFFEF7, lr;
	s5 =	simm.s32 $0xFFFFFFFF;
	p2 =	slt.u32 s8, $0xFFFFF086  }
0x1c: {  	p1 =	slt.u32 s9, $0xF7A;
	s5 =	simm.s32 @!p2 $0x0  }
0x1d: {  	s5 =	simm.s32 @p1 $0x1;
	p0 =	seq.s32 s7, s2  }
0x1e: {  	s7 =	smul.u32 @!p0 $0xF7A, s2;
	p2 =	seq.s32 @!p0 s5, $0x0  }
0x1f: {  	s9 =	smul.u32 $0xF7A, s1;
	s8 =	simm.s32 @!p0 $0x1BF5;
	p2 =	por !p2, p0  }
0x20: {  	[sflag:s8] =	ssyncset.s32 @!p0 $0xFFFFF086;
	s6 =	sadd.s32 @!p0 s3, s7;
	s7 =	simm.s32 @!p0 $0x108  }
0x21: {  	s3 =	sadd.s32 s3, s9;
	s6 =	sadd.s32 @!p0 $0x88, s6;
	s7 =	simm.s32 @p2 $0x1082  }
0x22: {  	[simem:s7], [sflag:s8] =	dma.local @!p0 [hbm:s6], $0xF7A  }
0x23: {  	s9 =	sor.u32 $0xD0000000, s2;
	s6 =	simm.s32 $0x108;
	_ =	swait.ge @!p0 [sflag:s8], $0x0  }
0x24: {  	s3 =	sadd.s32 $0x88, s3;
	s6 =	simm.s32 @!p1 $0x1082;
	[sflag:s4] =	ssyncset.s32 $0xFFFFF086  }
0x25: {  	[simem:s6], [sflag:s4] =	dma.local [hbm:s3], $0xF7A  }
0x26: {  	[smem:$0x3F9F] =	sst s1;
	(tag) =	ssettag s2;
	_ =	strace s9  }
0x27: {  	s1 =	sld [smem:$0x3FAF]  }
0x28: {  	s2 =	sld [smem:$0x3FB0]  }
0x29: {  	s4 =	sld [smem:$0x3FB2]  }
0x2a: {  	p0 =	seq.s32 s5, $0x0;
	s5 =	sld [smem:$0x3FB3]  }
0x2b: {  	s6 =	sld [smem:$0x3FB4]  }
0x2c: {  	s7 =	sld [smem:$0x3FB5]  }
0x2d: {  	s3 =	simm.s32 $0x108;
	s8 =	sld [smem:$0x3FB6]  }
0x2e: {  	s3 =	simm.s32 @!p0 $0x1082;
	s9 =	sld [smem:$0x3FB7]  }
0x2f: {  	lr =	sadd.s32 s0, s3;
	s0 =	sld [smem:$0x3FAE]  }
0x30: {  	s3 =	sld [smem:$0x3FB1]  }
0x31: {  	[smem:$0x3FBA] =	sst s10  }
0x32: {  	s10 =	sld [smem:$0x3FB8];
	_ =	sdelay $0x3  }
0x33: {  	p0 =	seq.s32 s10, $0x1;
	s10 =	sld [smem:$0x3FBA];
	_ =	sdelay $0x3  }
0x34: {  	[smem:$0x3FBA] =	sst s10  }
0x35: {  	s10 =	sld [smem:$0x3FB9];
	_ =	sdelay $0x3  }
0x36: {  	p1 =	seq.s32 s10, $0x1;
	s10 =	sld [smem:$0x3FBA];
	_ =	sdelay $0x3  }
0x37: {  	[smem:$0x3FBA] =	sst s10  }
0x38: {  	s10 =	sld [smem:$0x3FBB]  }
0x39: {  	_ = 	snop;
	(pc) =	sbr.ind lr, $3  }
0x3a: {  	_ = 	snop  }
0x3b: {  	_ = 	snop  }
0x3c: {  	p2 =	seq.s32 s10, $0x1;
	s10 =	sld [smem:$0x3FBA]  }
0x3d: {  	_ =	shalt  }
0x3e: {  	_ =	shalt  }
0x3f: {  	_ =	shalt  }
0x40: {  	_ =	shalt  }
0x41: {  	_ =	shalt  }
0x42: {  	_ =	shalt  }
0x43: {  	_ =	shalt  }
0x44: {  	_ =	shalt  }
0x45: {  	_ =	shalt  }
0x46: {  	_ =	shalt  }
0x47: {  	_ =	shalt  }
0x48: {  	_ =	shalt  }
0x49: {  	_ =	shalt  }
0x4a: {  	_ =	shalt  }
0x4b: {  	_ =	shalt  }
0x4c: {  	_ =	shalt  }
0x4d: {  	_ =	shalt  }
0x4e: {  	_ =	shalt  }
0x4f: {  	_ =	shalt  }
0x50: {  	_ =	shalt  }
0x51: {  	_ =	shalt  }
0x52: {  	_ =	shalt  }
0x53: {  	_ =	shalt  }
0x54: {  	_ =	shalt  }
0x55: {  	_ =	shalt  }
0x56: {  	_ =	shalt  }
0x57: {  	_ =	shalt  }
0x58: {  	_ =	shalt  }
0x59: {  	_ =	shalt  }
0x5a: {  	_ =	shalt  }
0x5b: {  	_ =	shalt  }
0x5c: {  	_ =	shalt  }
0x5d: {  	_ =	shalt  }
0x5e: {  	_ =	shalt  }
0x5f: {  	_ =	shalt  }
0x60: {  	_ =	shalt  }
0x61: {  	_ =	shalt  }
0x62: {  	_ =	shalt  }
0x63: {  	_ =	shalt  }
0x64: {  	_ =	shalt  }
0x65: {  	_ =	shalt  }
0x66: {  	_ =	shalt  }
0x67: {  	_ =	shalt  }
0x68: {  	_ =	shalt  }
0x69: {  	_ =	shalt  }
0x6a: {  	_ =	shalt  }
0x6b: {  	_ =	shalt  }
0x6c: {  	_ =	shalt  }
0x6d: {  	_ =	shalt  }
0x6e: {  	_ =	shalt  }
0x6f: {  	_ =	shalt  }
0x70: {  	_ =	shalt  }
0x71: {  	_ =	shalt  }
0x72: {  	_ =	shalt  }
0x73: {  	_ =	shalt  }
0x74: {  	_ =	shalt  }
0x75: {  	_ =	shalt  }
0x76: {  	_ =	shalt  }
0x77: {  	_ =	shalt  }
0x78: {  	_ =	shalt  }
0x79: {  	_ =	shalt  }
0x7a: {  	_ =	shalt  }
0x7b: {  	_ =	shalt  }
0x7c: {  	_ =	shalt  }
0x7d: {  	_ =	shalt  }
0x7e: {  	_ =	shalt  }
0x7f: {  	_ =	shalt  }
0x80: {  	_ =	shalt  }
0x81: {  	_ =	shalt  }
0x82: {  	_ =	shalt  }
0x83: {  	_ =	shalt  }
0x84: {  	_ =	shalt  }
0x85: {  	_ =	shalt  }
0x86: {  	_ =	shalt  }
0x87: {  	_ =	shalt  }
.Lfunc_end0:
.L_simem_size_0:
called_computation_lowered:
.L_overlay_start_0:
0x88: {  	s2 =	sld [smem:$0x3FD9]  }
0x89: {  	s3 =	sld [smem:$0x3FFE];
	_ =	sdelay $0x1  }
0x8a: {  	s1 =	srdreg.scid  }
0x8b: {  	s0 =	sand.u32 $0x1, s1  }
0x8c: {  	s17 =	sshll.u32 s0, $0xA;
	s2 =	sadd.s32 s3, s2  }
0x8d: {  	s2 =	sadd.s32 s2, s17  }
0x8e: {  	[smem:$0x3FC6] =	sst s2  }
0x8f: {  	_ = 	snop  }
0x90: {  	s2 =	sld [smem:$0x3FD0];
	(tm) =	ssettm $0x1  }
0x91: {  	s18 =	sld [smem:$0x3FFB];
	_ =	sdelay $0x3  }
0x92: {  	_ =	strace s18  }
0x93: {  	s3 =	sld [smem:$0x3FFC];
	_ =	sdelay $0x3  }
0x94: {  	_ =	strace s3  }
0x95: {  	s3 =	sld [smem:$0x3FFD];
	_ =	sdelay $0x3  }
0x96: {  	_ =	strace s3  }
0x97: {  	_ =	strace $0x8FFFFFFF  }
0x98: {  	s19 =	sld [smem:$0x3FDB];
	_ =	sdelay $0x1  }
0x99: {  	s4 =	simm.s32 $_scs_section_size  }
0x9a: {  	s5 =	simm.s32 $_size__tile_overlayer_lowered;
	s6 =	simm.s32 $_tile_overlayer_lowered  }
0x9b: {  	s22 =	simm.s32 $0x1BFF;
	s21 =	sshll.u32 s6, $0x1;
	s3 =	sadd.s32 s4, s19  }
0x9c: {  	s7 =	simm.s32 $0x0;
	s20 =	sshll.u32 s5, $0x1;
	s5 =	sadd.s32 s21, s3  }
0x9d: {  	[timem:s7], [sflag:s22] =	dma.local [hbm:s5], s20  }
0x9e: {  	_ =	swait.ge [sflag:s22], s20  }
0x9f: {  	s4 =	ssub.s32 $0x0, s20;
	[sflag:s22] =	ssyncset.done $0x0  }
0xa0: {  	[sflag:s22] =	ssyncadd.s32 s4;
	_ =	sdelay $0x1  }
0xa1: {  	s23 =	simm.s32 $0x1B8B  }
0xa2: {  	_ =	swait.ge [sflag:s23], $0x1  }
0xa3: {  	[sflag:s23] =	ssyncset.done $0x0  }
0xa4: {  	s25 =	simm.s32 $0x1B8E;
	s24 =	sld [smem:$0x3FFE];
	[sflag:s23] =	ssyncadd.s32 $0xFFFFFFFF  }
0xa5: {  	s26 =	simm.s32 $execute0_lowered;
	[smem:$0x3FD2] =	sst s25  }
0xa6: {  	s5 =	sshll.u32 s26, $0x1;
	_ =	strace $0x80000046;
	[dreg:$0x1] =	wrdreg $0xFFFFFFFF  }
0xa7: {  	s28 =	simm.s32 $_size_execute0_lowered;
	s3 =	sadd.s32 s3, s5;
	[dreg:$0x0] =	wrdreg $0x0  }
0xa8: {  	s5 =	sshll.u32 s28, $0x1;
	[dreg:$0x2] =	wrdreg s3  }
0xa9: {  	[dreg:$0x3] =	wrdreg s5  }
0xaa: {  	[dreg:$0x4] =	wrdreg $0xC0  }
0xab: {  	_ =	task [dreg:s7], $0x5FFFF  }
0xac: {  	[dreg:$0x1] =	wrdreg $0xFFFFFFFF  }
0xad: {  	[dreg:$0x0] =	wrdreg $0x60  }
0xae: {  	[dreg:$0x2] =	wrdreg s24  }
0xaf: {  	[dreg:$0x3] =	wrdreg s2  }
0xb0: {  	[dreg:$0x4] =	wrdreg $0x0  }
0xb1: {  	[dreg:$0x5] =	wrdreg $0x9  }
0xb2: {  	_ =	task.clear_ibuf [dreg:s7], $0x6FFFF;
	_ =	strace $0x90000046  }
0xb3: {  	s29 =	simm.s32 $0x9;
	_ =	strace $0x80000048  }
0xb4: {  	_ =	swait.ge [sflag:s29], $0x1  }
0xb5: {  	[sflag:s29] =	ssyncadd.s32 $0xFFFFFFFF  }
0xb6: {  	_ =	strace $0x90000048  }
0xb7: {  	_ =	sfence  }
0xb8: {  	s30 =	sld [smem:$0x0];
	_ =	sdelay $0x2  }
0xb9: {  	s31 =	sshll.u32 s1, $0xD;
	s1 =	sshrl.u32 s1, $0x2  }
0xba: {  	s3 =	sand.u32 $0x4000, s31;
	s1 =	sadd.s32 s1, s30  }
0xbb: {  	s0 =	sor.u32 s3, s0;
	s1 =	sshll.u32 s1, $0x11  }
0xbc: {  	s0 =	sor.u32 s1, s0  }
0xbd: {  	s0 =	sadd.s32 $0x8F2B, s0  }
0xbe: {  	[sflag:s0] =	ssyncadd.remote.s32 $0x1  }
0xbf: {  	_ =	sfence.sel $0xFFFF  }
0xc0: {  	[dreg:$0x0] =	wrdreg $0xFFFFFFFF;
	(pc) =	sbr.abs _section_cstart, $3  }
0xc1: {  	[dreg:$0x1] =	wrdreg $0xFFFFFFFF  }
0xc2: {  	_ =	task.clear_ibuf [dreg:s7], $0x2FFFF;
	_ =	strace $0x9FFFFFFF  }
0xc3: {  	(tm) =	ssettm $0x7FFFFFFF  }
tec
execute0_lowered:
.L_overlay_start_1:
0x0: {  	(tag) =	ssettag $0x1  }
0x1: {  	s5 =	rddreg [dreg:$0x0]  }
0x2: {  	s8 =	rddreg [dreg:$0x1]  }
0x3: {  	s2 =	rddreg [dreg:$0x2]  }
0x4: {  	s0 =	rddreg [dreg:$0x3];
	s3 =	simm.s32 $0x0;
	s1 =	stileid.u32  }
0x5: {  	s4 =	srdreg.scid;
	v0 =	vlaneseq.u32;
	s12 =	simm.s32 $0x13880;
	s13 =	simm.s32 $0x14C08  }
0x6: {  	s14 =	simm.s32 $0x80;
	s15 =	simm.s32 $0x15F90;
	s16 =	simm.s32 $0x19F90;
	v1 =	vmul.u32 $0x80, v0  }
0x7: {  	s17 =	simm.s32 $0x1;
	s18 =	simm.s32 $0x2;
	s19 =	simm.s32 $0x1DF90  }
0x8: {  	s20 =	simm.s32 $0x0;
	s24 =	simm.s32 $0x0;
	[smem:$0x7FF] =	sst s3;
	v2 =	vor.u32 $0x10, v1;
	v3 =	vor.u32 $0x20, v1  }
0x9: {  	s6 =	smul.u32 $0x13880, s1;
	s4 =	sand.u32 $0x1, s4;
	s7 =	sshll.u32 s1, $0x1;
	v4 =	vor.u32 $0x30, v1;
	v5 =	vor.u32 $0x40, v1;
	v6 =	vor.u32 $0x50, v1  }
0xa: {  	s31 =	sshll.u32 s1, $0x6;
	_ =	strace $0x80000047;
	s9 =	ssub.s32 $0x2, s4;
	v7 =	vor.u32 $0x60, v1;
	v8 =	vor.u32 $0x70, v1;
	v9 =	vor.u32 $0x800, v1  }
0xb: {  	s4 =	sor.u32 s4, s7;
	s28 =	sshrl.u32 s6, $0x3;
	s10 =	sshrl.u32 s9, $0x1;
	v10 =	vor.u32 $0x810, v1;
	v11 =	vor.u32 $0x820, v1;
	v12 =	vor.u32 $0x830, v1  }
0xc: {  	s11 =	smul.u32 $0x271, s4;
	s30 =	sadd.s32 s6, s2;
	s6 =	sor.u32 $0x1C03, s31;
	v13 =	vor.u32 $0x840, v1;
	v14 =	vor.u32 $0x850, v1;
	v15 =	vor.u32 $0x860, v1  }
0xd: {  	v16 =	vor.u32 $0x870, v1;
	v17 =	vor.u32 $0x1000, v1;
	v18 =	vor.u32 $0x1010, v1;
	s29 =	sadd.s32 s28, s5;
	s9 =	ssub.s32 s9, s10;
	s10 =	sshrl.u32 s30, $0x3  }
0xe: {  	v19 =	vor.u32 $0x1020, v1;
	v20 =	vor.u32 $0x1030, v1;
	v21 =	vor.u32 $0x1040, v1;
	s4 =	sadd.s32 $0xA000, s29;
	s5 =	sadd.s32 s5, s11;
	s8 =	sadd.s32 s8, s11  }
0xf: {  	v22 =	vor.u32 $0x1050, v1;
	v23 =	vor.u32 $0x1060, v1;
	v24 =	vor.u32 $0x1070, v1;
	s9 =	smax.u32 s9, $0x1;
	s11 =	simm.s32 $0x3;
	s7 =	sadd.s32 $0x5000, s5  }
.LBB2_1:
0x10: {  	[spmem:s10], [sflag:s6] =	dma.local [hbm:s4], $0x2710  }
0x11: {  	_ =	swait.ge [sflag:s11], $0x2710  }
0x12: {  	[sflag:s11] =	ssyncset.done $0x0  }
0x13: {  	[sflag:s11] =	ssyncadd.s32 $0xFFFFD8F0  }
0x14: {  	[tilespmem:s12], [sflag:$0x3] =	stream.linear.gather [hbm4b:s7+s3], $0x1388, $0x38;
	[tilespmem:$0x1F318] =	vst v63  }
0x15: {  	_ =	swait.ge [sflag:s11], $0x1388  }
0x16: {  	[sflag:s11] =	ssyncset.done $0x0  }
0x17: {  	[sflag:s11] =	ssyncadd.s32 $0xFFFFEC78  }
0x18: {  	[tilespmem:s13], [sflag:$0x3] =	stream.linear.gather [hbm4b:s5+s3], $0x1388, $0x38;
	[tilespmem:$0x1F318] =	vst v63  }
0x19: {  	_ =	swait.ge [sflag:s11], $0x1388  }
0x1a: {  	[sflag:s11] =	ssyncset.done $0x0  }
0x1b: {  	[sflag:s11] =	ssyncadd.s32 $0xFFFFEC78  }
0x1c: {  	s21 =	simm.s32 $0x0;
	[bflag:$0x0] =	sbarrier.arrive $0xFFFF  }
.LBB2_2:
0x1d: {  	s22 =	sshll.u32 s21, $0x7  }
0x1e: {  	s22 =	smin.u32 s22, $0x1308  }
0x1f: {  	s23 =	sadd.s32 $0x13880, s22  }
0x20: {  	[tilespmem:s15], [sflag:$0x1] =	stream.indirect.gather [spmem:s2], $0x80, s23, s14, $0xb8;
	[tilespmem:$0x1F318] =	vst v63  }
0x21: {  	s30 =	sadd.s32 $0x14C08, s22  }
0x22: {  	v26 =	vadd.s32 s24, v0;
	[tilespmem:s16], [sflag:$0x2] =	stream.indirect.gather [spmem:s2], $0x80, s30, s14, $0xb8;
	[tilespmem:$0x1F318] =	vst v63  }
0x23: {  	v25 =	vand.u32 $0xF, v26;
	_ =	swait.ge [sflag:s17], $0x4000  }
0x24: {  	v27 =	vor.u32 v1, v25;
	[sflag:s17] =	ssyncset.done $0x0  }
0x25: {  	[sflag:s17] =	ssyncadd.s32 $0xFFFFC000  }
0x26: {  	v28 =	vor.u32 v2, v26;
	_ =	swait.ge [sflag:s18], $0x4000  }
0x27: {  	[sflag:s18] =	ssyncset.done $0x0  }
0x28: {  	v29 =	vor.u32 v3, v25;
	[sflag:s18] =	ssyncadd.s32 $0xFFFFC000  }
0x29: {  	v30 =	vld.idx.msk [tilespmem:v27+s15+$0x0], $0xffff  }
0x2a: {  	v31 =	vor.u32 v4, v26;
	v27 =	vld.idx.msk [tilespmem:v27+s16+$0x0], $0xffff  }
0x2b: {  	v33 =	vld.idx.msk [tilespmem:v28+s15+$0x0], $0xffff  }
0x2c: {  	v35 =	vor.u32 v5, v25;
	v34 =	vld.idx.msk [tilespmem:v28+s16+$0x0], $0xffff  }
0x2d: {  	v37 =	vld.idx.msk [tilespmem:v29+s15+$0x0], $0xffff  }
0x2e: {  	v41 =	vor.u32 v6, v26;
	v40 =	vld.idx.msk [tilespmem:v29+s16+$0x0], $0xffff  }
0x2f: {  	v29 =	vld.idx.msk [tilespmem:v31+s15+$0x0], $0xffff  }
0x30: {  	s31 =	simm.s32 $0x1;
	v32 =	vld.idx.msk [tilespmem:v31+s16+$0x0], $0xffff;
	v31 =	vor.u32 v7, v25;
	v30 =	vmul.bf16 v27, v30  }
0x31: {  	v36 =	vimm.f32 $0.0e+00;
	v25 =	vadd.s32 s31, v0;
	v28 =	vld.idx.msk [tilespmem:v35+s15+$0x0], $0xffff;
	v27 =	vor.u32 v8, v26  }
0x32: {  	v34 =	vmul.bf16 v34, v33;
	v33 =	vld.idx.msk [tilespmem:v35+s16+$0x0], $0xffff;
	v38 =	vunpack.i.u.bf16.f32 v30;
	v30 =	vunpack.i.l.bf16.f32 v30  }
0x33: {  	v26 =	vand.u32 $0xF, v25;
	v35 =	vadd.f32 v30, v36;
	v36 =	vadd.f32 v38, v36;
	v30 =	vld.idx.msk [tilespmem:v41+s15+$0x0], $0xffff  }
0x34: {  	s23 =	simm.s32 $0x2;
	v37 =	vmul.bf16 v40, v37;
	v39 =	vunpack.i.l.bf16.f32 v34;
	v38 =	vunpack.i.u.bf16.f32 v34;
	v34 =	vld.idx.msk [tilespmem:v41+s16+$0x0], $0xffff  }
.LBB2_3:
0x35: {  	p0 =	sne.s32 s23, $0xF;
	v40 =	vor.u32 v1, v26;
	v35 =	vadd.f32 v39, v35;
	v36 =	vadd.f32 v38, v36;
	v38 =	vld.idx.msk [tilespmem:v31+s15+$0x0], $0xffff  }
0x36: {  	v29 =	vmul.bf16 v32, v29;
	v39 =	vunpack.i.u.bf16.f32 v37;
	v37 =	vunpack.i.l.bf16.f32 v37;
	v31 =	vld.idx.msk [tilespmem:v31+s16+$0x0], $0xffff  }
0x37: {  	v32 =	vor.u32 v2, v25;
	v35 =	vadd.f32 v37, v35;
	v36 =	vadd.f32 v39, v36;
	v37 =	vld.idx.msk [tilespmem:v27+s15+$0x0], $0xffff  }
0x38: {  	v39 =	vunpack.i.u.bf16.f32 v29;
	v29 =	vunpack.i.l.bf16.f32 v29;
	v28 =	vmul.bf16 v33, v28;
	v27 =	vld.idx.msk [tilespmem:v27+s16+$0x0], $0xffff  }
0x39: {  	v33 =	vor.u32 v3, v26;
	v29 =	vadd.f32 v29, v35;
	v35 =	vadd.f32 v39, v36  }
0x3a: {  	v39 =	vunpack.i.u.bf16.f32 v28;
	v28 =	vunpack.i.l.bf16.f32 v28;
	v30 =	vmul.bf16 v34, v30;
	v36 =	vld.idx.msk [tilespmem:v40+s15+$0x0], $0xffff  }
0x3b: {  	v34 =	vld.idx.msk [tilespmem:v40+s16+$0x0], $0xffff;
	v40 =	vor.u32 v4, v25;
	v28 =	vadd.f32 v28, v29;
	v29 =	vadd.f32 v39, v35  }
0x3c: {  	v39 =	vunpack.i.u.bf16.f32 v30;
	v30 =	vunpack.i.l.bf16.f32 v30;
	v31 =	vmul.bf16 v31, v38;
	v35 =	vld.idx.msk [tilespmem:v32+s15+$0x0], $0xffff  }
0x3d: {  	v41 =	vor.u32 v5, v26;
	v38 =	vld.idx.msk [tilespmem:v32+s16+$0x0], $0xffff;
	v28 =	vadd.f32 v30, v28;
	v29 =	vadd.f32 v39, v29  }
0x3e: {  	v30 =	vunpack.i.u.bf16.f32 v31;
	v31 =	vunpack.i.l.bf16.f32 v31;
	v27 =	vmul.bf16 v27, v37;
	v42 =	vld.idx.msk [tilespmem:v33+s15+$0x0], $0xffff  }
0x3f: {  	v43 =	vor.u32 v6, v25;
	v37 =	vld.idx.msk [tilespmem:v33+s16+$0x0], $0xffff;
	v28 =	vadd.f32 v31, v28;
	v30 =	vadd.f32 v30, v29  }
0x40: {  	v31 =	vor.u32 v7, v26;
	v26 =	vunpack.i.u.bf16.f32 v27;
	v27 =	vunpack.i.l.bf16.f32 v27;
	v29 =	vld.idx.msk [tilespmem:v40+s15+$0x0], $0xffff  }
.Ltmp0:
0x41: {  	v33 =	vmul.bf16 v34, v36;
	v32 =	vld.idx.msk [tilespmem:v40+s16+$0x0], $0xffff;
	v34 =	vadd.f32 v27, v28;
	v30 =	vadd.f32 v26, v30;
	(pc) =	sbr.rel @p0 .LBB2_3-.Ltmp0, $4  }
0x42: {  	v27 =	vor.u32 v8, v25;
	v25 =	vadd.s32 s23, v0;
	v28 =	vld.idx.msk [tilespmem:v41+s15+$0x0], $0xffff  }
0x43: {  	v36 =	vunpack.i.u.bf16.f32 v33;
	v39 =	vunpack.i.l.bf16.f32 v33;
	v40 =	vmul.bf16 v38, v35;
	v33 =	vld.idx.msk [tilespmem:v41+s16+$0x0], $0xffff  }
0x44: {  	v26 =	vand.u32 $0xF, v25;
	v35 =	vadd.f32 v39, v34;
	v36 =	vadd.f32 v36, v30;
	v30 =	vld.idx.msk [tilespmem:v43+s15+$0x0], $0xffff  }
0x45: {  	s23 =	sadd.s32 $0x1, s23;
	v38 =	vunpack.i.u.bf16.f32 v40;
	v39 =	vunpack.i.l.bf16.f32 v40;
	v37 =	vmul.bf16 v37, v42;
	v34 =	vld.idx.msk [tilespmem:v43+s16+$0x0], $0xffff  }
0x46: {  	_ =	sdelay $0x2  }
0x47: {  	v40 =	vor.u32 v1, v26;
	v35 =	vadd.f32 v39, v35;
	v36 =	vadd.f32 v38, v36  }
0x48: {  	v52 =	vld.idx.msk [tilespmem:v31+s15+$0x0], $0xffff;
	v29 =	vmul.bf16 v32, v29;
	v53 =	vunpack.i.u.bf16.f32 v37;
	v54 =	vunpack.i.l.bf16.f32 v37  }
0x49: {  	v31 =	vld.idx.msk [tilespmem:v31+s16+$0x0], $0xffff;
	v55 =	vor.u32 v2, v25;
	v35 =	vadd.f32 v54, v35;
	v36 =	vadd.f32 v53, v36  }
0x4a: {  	v56 =	vld.idx.msk [tilespmem:v27+s15+$0x0], $0xffff;
	v57 =	vunpack.i.u.bf16.f32 v29;
	v29 =	vunpack.i.l.bf16.f32 v29;
	v28 =	vmul.bf16 v33, v28  }
0x4b: {  	v27 =	vld.idx.msk [tilespmem:v27+s16+$0x0], $0xffff;
	v58 =	vor.u32 v3, v26;
	v29 =	vadd.f32 v29, v35;
	v59 =	vadd.f32 v57, v36  }
0x4c: {  	v61 =	vunpack.i.u.bf16.f32 v28;
	v28 =	vunpack.i.l.bf16.f32 v28;
	v30 =	vmul.bf16 v34, v30;
	v60 =	vld.idx.msk [tilespmem:v40+s15+$0x0], $0xffff  }
0x4d: {  	v63 =	vor.u32 v4, v25;
	v62 =	vld.idx.msk [tilespmem:v40+s16+$0x0], $0xffff;
	v28 =	vadd.f32 v28, v29;
	v29 =	vadd.f32 v61, v59  }
0x4e: {  	v42 =	vld.idx.msk [tilespmem:v55+s15+$0x0], $0xffff;
	v31 =	vmul.bf16 v31, v52;
	v43 =	vunpack.i.u.bf16.f32 v30;
	v30 =	vunpack.i.l.bf16.f32 v30  }
0x4f: {  	v44 =	vor.u32 v5, v26;
	v32 =	vld.idx.msk [tilespmem:v55+s16+$0x0], $0xffff;
	v28 =	vadd.f32 v30, v28;
	v29 =	vadd.f32 v43, v29  }
0x50: {  	v27 =	vmul.bf16 v27, v56;
	v33 =	vld.idx.msk [tilespmem:v58+s16+$0x0], $0xffff;
	v45 =	vunpack.i.u.bf16.f32 v31;
	v31 =	vunpack.i.l.bf16.f32 v31  }
0x51: {  	v46 =	vor.u32 v6, v25;
	v30 =	vld.idx.msk [tilespmem:v58+s15+$0x0], $0xffff;
	v28 =	vadd.f32 v31, v28;
	v29 =	vadd.f32 v45, v29  }
0x52: {  	v48 =	vld.idx.msk [tilespmem:v63+s16+$0x0], $0xffff;
	v47 =	vunpack.i.u.bf16.f32 v27;
	v27 =	vunpack.i.l.bf16.f32 v27;
	v34 =	vmul.bf16 v62, v60  }
0x53: {  	v26 =	vor.u32 v7, v26;
	v31 =	vld.idx.msk [tilespmem:v63+s15+$0x0], $0xffff;
	v27 =	vadd.f32 v27, v28;
	v28 =	vadd.f32 v47, v29  }
0x54: {  	v50 =	vld.idx.msk [tilespmem:v44+s16+$0x0], $0xffff;
	v32 =	vmul.bf16 v32, v42;
	v49 =	vunpack.i.u.bf16.f32 v34;
	v34 =	vunpack.i.l.bf16.f32 v34  }
0x55: {  	v25 =	vor.u32 v8, v25;
	v29 =	vld.idx.msk [tilespmem:v44+s15+$0x0], $0xffff;
	v27 =	vadd.f32 v34, v27;
	v28 =	vadd.f32 v49, v28  }
0x56: {  	v51 =	vld.idx.msk [tilespmem:v46+s15+$0x0], $0xffff;
	v52 =	vunpack.i.u.bf16.f32 v32;
	v32 =	vunpack.i.l.bf16.f32 v32;
	v30 =	vmul.bf16 v33, v30  }
0x57: {  	v53 =	vld.idx.msk [tilespmem:v46+s16+$0x0], $0xffff;
	v27 =	vadd.f32 v32, v27;
	v28 =	vadd.f32 v52, v28  }
0x58: {  	v54 =	vld.idx.msk [tilespmem:v26+s15+$0x0], $0xffff;
	v55 =	vunpack.i.u.bf16.f32 v30;
	v30 =	vunpack.i.l.bf16.f32 v30;
	v31 =	vmul.bf16 v48, v31  }
0x59: {  	v26 =	vld.idx.msk [tilespmem:v26+s16+$0x0], $0xffff;
	v27 =	vadd.f32 v30, v27;
	v28 =	vadd.f32 v55, v28  }
0x5a: {  	v36 =	vunpack.i.u.bf16.f32 v31;
	v31 =	vunpack.i.l.bf16.f32 v31;
	v29 =	vmul.bf16 v50, v29;
	v30 =	vld.idx.msk [tilespmem:v25+s15+$0x0], $0xffff  }
0x5b: {  	v25 =	vld.idx.msk [tilespmem:v25+s16+$0x0], $0xffff;
	v27 =	vadd.f32 v31, v27;
	v28 =	vadd.f32 v36, v28  }
0x5c: {  	v33 =	vmul.bf16 v53, v51;
	v31 =	vunpack.i.u.bf16.f32 v29;
	v29 =	vunpack.i.l.bf16.f32 v29  }
0x5d: {  	v27 =	vadd.f32 v29, v27;
	v28 =	vadd.f32 v31, v28  }
0x5e: {  	v26 =	vmul.bf16 v26, v54;
	v29 =	vunpack.i.u.bf16.f32 v33;
	v31 =	vunpack.i.l.bf16.f32 v33  }
0x5f: {  	v27 =	vadd.f32 v31, v27;
	v28 =	vadd.f32 v29, v28  }
0x60: {  	s23 =	simm.s32 $0x0;
	v25 =	vmul.bf16 v25, v30;
	v29 =	vunpack.i.u.bf16.f32 v26;
	v26 =	vunpack.i.l.bf16.f32 v26  }
0x61: {  	v30 =	vadd.s32 s23, v0;
	v26 =	vadd.f32 v26, v27;
	v27 =	vadd.f32 v29, v28  }
0x62: {  	v31 =	vand.u32 $0xF, v30;
	v28 =	vunpack.i.u.bf16.f32 v25;
	v25 =	vunpack.i.l.bf16.f32 v25  }
0x63: {  	v25 =	vadd.f32 v25, v26;
	v26 =	vadd.f32 v28, v27;
	v27 =	vor.u32 v9, v31;
	_ =	sdelay $0x1  }
0x64: {  	v56 =	vor.u32 v12, v30;
	v25 =	vadd.f32 v26, v25  }
0x65: {  	v26 =	vor.u32 v10, v30  }
0x66: {  	[tilespmem:s22+$0x1DF90] =	vst v25  }
0x67: {  	v25 =	vor.u32 v11, v31;
	v28 =	vld.idx.msk [tilespmem:v27+s15+$0x0], $0xffff  }
0x68: {  	v27 =	vld.idx.msk [tilespmem:v27+s16+$0x0], $0xffff  }
0x69: {  	v29 =	vld.idx.msk [tilespmem:v56+s15+$0x0], $0xffff  }
0x6a: {  	v58 =	vor.u32 v13, v31;
	v57 =	vld.idx.msk [tilespmem:v26+s15+$0x0], $0xffff  }
0x6b: {  	v41 =	vor.u32 v14, v30;
	v26 =	vld.idx.msk [tilespmem:v26+s16+$0x0], $0xffff  }
0x6c: {  	v59 =	vld.idx.msk [tilespmem:v25+s15+$0x0], $0xffff  }
0x6d: {  	v60 =	vld.idx.msk [tilespmem:v25+s16+$0x0], $0xffff  }
0x6e: {  	s31 =	simm.s32 $0x1;
	v31 =	vor.u32 v15, v31;
	v32 =	vld.idx.msk [tilespmem:v56+s16+$0x0], $0xffff;
	v62 =	vmul.bf16 v27, v28  }
0x6f: {  	v61 =	vimm.f32 $0.0e+00;
	v33 =	vld.idx.msk [tilespmem:v58+s16+$0x0], $0xffff;
	v25 =	vadd.s32 s31, v0;
	v27 =	vor.u32 v16, v30  }
0x70: {  	v34 =	vld.idx.msk [tilespmem:v41+s16+$0x0], $0xffff;
	v30 =	vunpack.i.u.bf16.f32 v62;
	v35 =	vunpack.i.l.bf16.f32 v62;
	v63 =	vmul.bf16 v26, v57  }
0x71: {  	v28 =	vld.idx.msk [tilespmem:v58+s15+$0x0], $0xffff;
	v26 =	vand.u32 $0xF, v25;
	v35 =	vadd.f32 v35, v61;
	v36 =	vadd.f32 v30, v61  }
0x72: {  	s23 =	simm.s32 $0x2;
	v30 =	vld.idx.msk [tilespmem:v41+s15+$0x0], $0xffff;
	v38 =	vunpack.i.u.bf16.f32 v63;
	v39 =	vunpack.i.l.bf16.f32 v63;
	v37 =	vmul.bf16 v60, v59  }
.LBB2_5:
0x73: {  	p0 =	sne.s32 s23, $0xF;
	v40 =	vor.u32 v9, v26;
	v35 =	vadd.f32 v39, v35;
	v36 =	vadd.f32 v38, v36;
	v38 =	vld.idx.msk [tilespmem:v31+s15+$0x0], $0xffff  }
0x74: {  	v29 =	vmul.bf16 v32, v29;
	v39 =	vunpack.i.u.bf16.f32 v37;
	v37 =	vunpack.i.l.bf16.f32 v37;
	v31 =	vld.idx.msk [tilespmem:v31+s16+$0x0], $0xffff  }
0x75: {  	v32 =	vor.u32 v10, v25;
	v35 =	vadd.f32 v37, v35;
	v36 =	vadd.f32 v39, v36;
	v37 =	vld.idx.msk [tilespmem:v27+s15+$0x0], $0xffff  }
0x76: {  	v39 =	vunpack.i.u.bf16.f32 v29;
	v29 =	vunpack.i.l.bf16.f32 v29;
	v28 =	vmul.bf16 v33, v28;
	v27 =	vld.idx.msk [tilespmem:v27+s16+$0x0], $0xffff  }
0x77: {  	v33 =	vor.u32 v11, v26;
	v29 =	vadd.f32 v29, v35;
	v35 =	vadd.f32 v39, v36  }
0x78: {  	v39 =	vunpack.i.u.bf16.f32 v28;
	v28 =	vunpack.i.l.bf16.f32 v28;
	v30 =	vmul.bf16 v34, v30;
	v36 =	vld.idx.msk [tilespmem:v40+s15+$0x0], $0xffff  }
0x79: {  	v34 =	vld.idx.msk [tilespmem:v40+s16+$0x0], $0xffff;
	v40 =	vor.u32 v12, v25;
	v28 =	vadd.f32 v28, v29;
	v29 =	vadd.f32 v39, v35  }
0x7a: {  	v39 =	vunpack.i.u.bf16.f32 v30;
	v30 =	vunpack.i.l.bf16.f32 v30;
	v31 =	vmul.bf16 v31, v38;
	v35 =	vld.idx.msk [tilespmem:v32+s15+$0x0], $0xffff  }
0x7b: {  	v41 =	vor.u32 v13, v26;
	v38 =	vld.idx.msk [tilespmem:v32+s16+$0x0], $0xffff;
	v28 =	vadd.f32 v30, v28;
	v29 =	vadd.f32 v39, v29  }
0x7c: {  	v30 =	vunpack.i.u.bf16.f32 v31;
	v31 =	vunpack.i.l.bf16.f32 v31;
	v27 =	vmul.bf16 v27, v37;
	v42 =	vld.idx.msk [tilespmem:v33+s15+$0x0], $0xffff  }
0x7d: {  	v43 =	vor.u32 v14, v25;
	v37 =	vld.idx.msk [tilespmem:v33+s16+$0x0], $0xffff;
	v28 =	vadd.f32 v31, v28;
	v30 =	vadd.f32 v30, v29  }
0x7e: {  	v31 =	vor.u32 v15, v26;
	v26 =	vunpack.i.u.bf16.f32 v27;
	v27 =	vunpack.i.l.bf16.f32 v27;
	v29 =	vld.idx.msk [tilespmem:v40+s15+$0x0], $0xffff  }
.Ltmp1:
0x7f: {  	v33 =	vmul.bf16 v34, v36;
	v32 =	vld.idx.msk [tilespmem:v40+s16+$0x0], $0xffff;
	v34 =	vadd.f32 v27, v28;
	v30 =	vadd.f32 v26, v30;
	(pc) =	sbr.rel @p0 .LBB2_5-.Ltmp1, $4  }
0x80: {  	v27 =	vor.u32 v16, v25;
	v25 =	vadd.s32 s23, v0;
	v28 =	vld.idx.msk [tilespmem:v41+s15+$0x0], $0xffff  }
0x81: {  	v36 =	vunpack.i.u.bf16.f32 v33;
	v39 =	vunpack.i.l.bf16.f32 v33;
	v40 =	vmul.bf16 v38, v35;
	v33 =	vld.idx.msk [tilespmem:v41+s16+$0x0], $0xffff  }
0x82: {  	v26 =	vand.u32 $0xF, v25;
	v35 =	vadd.f32 v39, v34;
	v36 =	vadd.f32 v36, v30;
	v30 =	vld.idx.msk [tilespmem:v43+s15+$0x0], $0xffff  }
0x83: {  	s23 =	sadd.s32 $0x1, s23;
	v38 =	vunpack.i.u.bf16.f32 v40;
	v39 =	vunpack.i.l.bf16.f32 v40;
	v37 =	vmul.bf16 v37, v42;
	v34 =	vld.idx.msk [tilespmem:v43+s16+$0x0], $0xffff  }
0x84: {  	_ =	sdelay $0x2  }
0x85: {  	v40 =	vor.u32 v9, v26;
	v35 =	vadd.f32 v39, v35;
	v36 =	vadd.f32 v38, v36  }
0x86: {  	v52 =	vld.idx.msk [tilespmem:v31+s15+$0x0], $0xffff;
	v29 =	vmul.bf16 v32, v29;
	v53 =	vunpack.i.u.bf16.f32 v37;
	v54 =	vunpack.i.l.bf16.f32 v37  }
0x87: {  	v31 =	vld.idx.msk [tilespmem:v31+s16+$0x0], $0xffff;
	v55 =	vor.u32 v10, v25;
	v35 =	vadd.f32 v54, v35;
	v36 =	vadd.f32 v53, v36  }
0x88: {  	v56 =	vld.idx.msk [tilespmem:v27+s15+$0x0], $0xffff;
	v57 =	vunpack.i.u.bf16.f32 v29;
	v29 =	vunpack.i.l.bf16.f32 v29;
	v28 =	vmul.bf16 v33, v28  }
0x89: {  	v27 =	vld.idx.msk [tilespmem:v27+s16+$0x0], $0xffff;
	v58 =	vor.u32 v11, v26;
	v29 =	vadd.f32 v29, v35;
	v59 =	vadd.f32 v57, v36  }
0x8a: {  	v61 =	vunpack.i.u.bf16.f32 v28;
	v28 =	vunpack.i.l.bf16.f32 v28;
	v30 =	vmul.bf16 v34, v30;
	v60 =	vld.idx.msk [tilespmem:v40+s15+$0x0], $0xffff  }
0x8b: {  	v63 =	vor.u32 v12, v25;
	v62 =	vld.idx.msk [tilespmem:v40+s16+$0x0], $0xffff;
	v28 =	vadd.f32 v28, v29;
	v29 =	vadd.f32 v61, v59  }
0x8c: {  	v42 =	vld.idx.msk [tilespmem:v55+s15+$0x0], $0xffff;
	v31 =	vmul.bf16 v31, v52;
	v43 =	vunpack.i.u.bf16.f32 v30;
	v30 =	vunpack.i.l.bf16.f32 v30  }
0x8d: {  	v44 =	vor.u32 v13, v26;
	v32 =	vld.idx.msk [tilespmem:v55+s16+$0x0], $0xffff;
	v28 =	vadd.f32 v30, v28;
	v29 =	vadd.f32 v43, v29  }
0x8e: {  	v27 =	vmul.bf16 v27, v56;
	v33 =	vld.idx.msk [tilespmem:v58+s16+$0x0], $0xffff;
	v45 =	vunpack.i.u.bf16.f32 v31;
	v31 =	vunpack.i.l.bf16.f32 v31  }
0x8f: {  	v46 =	vor.u32 v14, v25;
	v30 =	vld.idx.msk [tilespmem:v58+s15+$0x0], $0xffff;
	v28 =	vadd.f32 v31, v28;
	v29 =	vadd.f32 v45, v29  }
0x90: {  	v48 =	vld.idx.msk [tilespmem:v63+s16+$0x0], $0xffff;
	v47 =	vunpack.i.u.bf16.f32 v27;
	v27 =	vunpack.i.l.bf16.f32 v27;
	v34 =	vmul.bf16 v62, v60  }
0x91: {  	v26 =	vor.u32 v15, v26;
	v31 =	vld.idx.msk [tilespmem:v63+s15+$0x0], $0xffff;
	v27 =	vadd.f32 v27, v28;
	v28 =	vadd.f32 v47, v29  }
0x92: {  	v50 =	vld.idx.msk [tilespmem:v44+s16+$0x0], $0xffff;
	v32 =	vmul.bf16 v32, v42;
	v49 =	vunpack.i.u.bf16.f32 v34;
	v34 =	vunpack.i.l.bf16.f32 v34  }
0x93: {  	v25 =	vor.u32 v16, v25;
	v29 =	vld.idx.msk [tilespmem:v44+s15+$0x0], $0xffff;
	v27 =	vadd.f32 v34, v27;
	v28 =	vadd.f32 v49, v28  }
0x94: {  	v51 =	vld.idx.msk [tilespmem:v46+s15+$0x0], $0xffff;
	v52 =	vunpack.i.u.bf16.f32 v32;
	v32 =	vunpack.i.l.bf16.f32 v32;
	v30 =	vmul.bf16 v33, v30  }
0x95: {  	v53 =	vld.idx.msk [tilespmem:v46+s16+$0x0], $0xffff;
	v27 =	vadd.f32 v32, v27;
	v28 =	vadd.f32 v52, v28  }
0x96: {  	v54 =	vld.idx.msk [tilespmem:v26+s15+$0x0], $0xffff;
	v55 =	vunpack.i.u.bf16.f32 v30;
	v30 =	vunpack.i.l.bf16.f32 v30;
	v31 =	vmul.bf16 v48, v31  }
0x97: {  	v26 =	vld.idx.msk [tilespmem:v26+s16+$0x0], $0xffff;
	v27 =	vadd.f32 v30, v27;
	v28 =	vadd.f32 v55, v28  }
0x98: {  	v36 =	vunpack.i.u.bf16.f32 v31;
	v31 =	vunpack.i.l.bf16.f32 v31;
	v29 =	vmul.bf16 v50, v29;
	v30 =	vld.idx.msk [tilespmem:v25+s15+$0x0], $0xffff  }
0x99: {  	v25 =	vld.idx.msk [tilespmem:v25+s16+$0x0], $0xffff;
	v27 =	vadd.f32 v31, v27;
	v28 =	vadd.f32 v36, v28  }
0x9a: {  	v33 =	vmul.bf16 v53, v51;
	v31 =	vunpack.i.u.bf16.f32 v29;
	v29 =	vunpack.i.l.bf16.f32 v29  }
0x9b: {  	v27 =	vadd.f32 v29, v27;
	v28 =	vadd.f32 v31, v28  }
0x9c: {  	v26 =	vmul.bf16 v26, v54;
	v29 =	vunpack.i.u.bf16.f32 v33;
	v31 =	vunpack.i.l.bf16.f32 v33  }
0x9d: {  	v27 =	vadd.f32 v31, v27;
	v28 =	vadd.f32 v29, v28  }
0x9e: {  	s23 =	simm.s32 $0x0;
	v25 =	vmul.bf16 v25, v30;
	v29 =	vunpack.i.u.bf16.f32 v26;
	v26 =	vunpack.i.l.bf16.f32 v26  }
0x9f: {  	v30 =	vadd.s32 s23, v0;
	v26 =	vadd.f32 v26, v27;
	v27 =	vadd.f32 v29, v28  }
0xa0: {  	v31 =	vand.u32 $0xF, v30;
	v28 =	vunpack.i.u.bf16.f32 v25;
	v25 =	vunpack.i.l.bf16.f32 v25  }
0xa1: {  	v25 =	vadd.f32 v25, v26;
	v26 =	vadd.f32 v28, v27;
	v27 =	vor.u32 v17, v31;
	_ =	sdelay $0x1  }
0xa2: {  	v56 =	vor.u32 v20, v30;
	v25 =	vadd.f32 v26, v25  }
0xa3: {  	v26 =	vor.u32 v18, v30  }
0xa4: {  	[tilespmem:s22+$0x1DFA0] =	vst v25  }
0xa5: {  	v25 =	vor.u32 v19, v31;
	v28 =	vld.idx.msk [tilespmem:v27+s15+$0x0], $0xffff  }
0xa6: {  	v27 =	vld.idx.msk [tilespmem:v27+s16+$0x0], $0xffff  }
0xa7: {  	v29 =	vld.idx.msk [tilespmem:v56+s15+$0x0], $0xffff  }
0xa8: {  	v58 =	vor.u32 v21, v31;
	v57 =	vld.idx.msk [tilespmem:v26+s15+$0x0], $0xffff  }
0xa9: {  	v41 =	vor.u32 v22, v30;
	v26 =	vld.idx.msk [tilespmem:v26+s16+$0x0], $0xffff  }
0xaa: {  	v59 =	vld.idx.msk [tilespmem:v25+s15+$0x0], $0xffff  }
0xab: {  	v60 =	vld.idx.msk [tilespmem:v25+s16+$0x0], $0xffff  }
0xac: {  	s31 =	simm.s32 $0x1;
	v31 =	vor.u32 v23, v31;
	v32 =	vld.idx.msk [tilespmem:v56+s16+$0x0], $0xffff;
	v62 =	vmul.bf16 v27, v28  }
0xad: {  	v61 =	vimm.f32 $0.0e+00;
	v33 =	vld.idx.msk [tilespmem:v58+s16+$0x0], $0xffff;
	v25 =	vadd.s32 s31, v0;
	v27 =	vor.u32 v24, v30  }
0xae: {  	v34 =	vld.idx.msk [tilespmem:v41+s16+$0x0], $0xffff;
	v30 =	vunpack.i.u.bf16.f32 v62;
	v35 =	vunpack.i.l.bf16.f32 v62;
	v63 =	vmul.bf16 v26, v57  }
0xaf: {  	v28 =	vld.idx.msk [tilespmem:v58+s15+$0x0], $0xffff;
	v26 =	vand.u32 $0xF, v25;
	v35 =	vadd.f32 v35, v61;
	v36 =	vadd.f32 v30, v61  }
0xb0: {  	s23 =	simm.s32 $0x2;
	v30 =	vld.idx.msk [tilespmem:v41+s15+$0x0], $0xffff;
	v38 =	vunpack.i.u.bf16.f32 v63;
	v39 =	vunpack.i.l.bf16.f32 v63;
	v37 =	vmul.bf16 v60, v59  }
.LBB2_7:
0xb1: {  	p0 =	sne.s32 s23, $0xF;
	v40 =	vor.u32 v17, v26;
	v35 =	vadd.f32 v39, v35;
	v36 =	vadd.f32 v38, v36;
	v38 =	vld.idx.msk [tilespmem:v31+s15+$0x0], $0xffff  }
0xb2: {  	v29 =	vmul.bf16 v32, v29;
	v39 =	vunpack.i.u.bf16.f32 v37;
	v37 =	vunpack.i.l.bf16.f32 v37;
	v31 =	vld.idx.msk [tilespmem:v31+s16+$0x0], $0xffff  }
0xb3: {  	v32 =	vor.u32 v18, v25;
	v35 =	vadd.f32 v37, v35;
	v36 =	vadd.f32 v39, v36;
	v37 =	vld.idx.msk [tilespmem:v27+s15+$0x0], $0xffff  }
0xb4: {  	v39 =	vunpack.i.u.bf16.f32 v29;
	v29 =	vunpack.i.l.bf16.f32 v29;
	v28 =	vmul.bf16 v33, v28;
	v27 =	vld.idx.msk [tilespmem:v27+s16+$0x0], $0xffff  }
0xb5: {  	v33 =	vor.u32 v19, v26;
	v29 =	vadd.f32 v29, v35;
	v35 =	vadd.f32 v39, v36  }
0xb6: {  	v39 =	vunpack.i.u.bf16.f32 v28;
	v28 =	vunpack.i.l.bf16.f32 v28;
	v30 =	vmul.bf16 v34, v30;
	v36 =	vld.idx.msk [tilespmem:v40+s15+$0x0], $0xffff  }
0xb7: {  	v34 =	vld.idx.msk [tilespmem:v40+s16+$0x0], $0xffff;
	v40 =	vor.u32 v20, v25;
	v28 =	vadd.f32 v28, v29;
	v29 =	vadd.f32 v39, v35  }
0xb8: {  	v39 =	vunpack.i.u.bf16.f32 v30;
	v30 =	vunpack.i.l.bf16.f32 v30;
	v31 =	vmul.bf16 v31, v38;
	v35 =	vld.idx.msk [tilespmem:v32+s15+$0x0], $0xffff  }
0xb9: {  	v41 =	vor.u32 v21, v26;
	v38 =	vld.idx.msk [tilespmem:v32+s16+$0x0], $0xffff;
	v28 =	vadd.f32 v30, v28;
	v29 =	vadd.f32 v39, v29  }
0xba: {  	v30 =	vunpack.i.u.bf16.f32 v31;
	v31 =	vunpack.i.l.bf16.f32 v31;
	v27 =	vmul.bf16 v27, v37;
	v42 =	vld.idx.msk [tilespmem:v33+s15+$0x0], $0xffff  }
0xbb: {  	v43 =	vor.u32 v22, v25;
	v37 =	vld.idx.msk [tilespmem:v33+s16+$0x0], $0xffff;
	v28 =	vadd.f32 v31, v28;
	v30 =	vadd.f32 v30, v29  }
0xbc: {  	v31 =	vor.u32 v23, v26;
	v26 =	vunpack.i.u.bf16.f32 v27;
	v27 =	vunpack.i.l.bf16.f32 v27;
	v29 =	vld.idx.msk [tilespmem:v40+s15+$0x0], $0xffff  }
.Ltmp2:
0xbd: {  	v33 =	vmul.bf16 v34, v36;
	v32 =	vld.idx.msk [tilespmem:v40+s16+$0x0], $0xffff;
	v34 =	vadd.f32 v27, v28;
	v30 =	vadd.f32 v26, v30;
	(pc) =	sbr.rel @p0 .LBB2_7-.Ltmp2, $4  }
0xbe: {  	v27 =	vor.u32 v24, v25;
	v25 =	vadd.s32 s23, v0;
	v28 =	vld.idx.msk [tilespmem:v41+s15+$0x0], $0xffff  }
0xbf: {  	v36 =	vunpack.i.u.bf16.f32 v33;
	v39 =	vunpack.i.l.bf16.f32 v33;
	v40 =	vmul.bf16 v38, v35;
	v33 =	vld.idx.msk [tilespmem:v41+s16+$0x0], $0xffff  }
0xc0: {  	v26 =	vand.u32 $0xF, v25;
	v35 =	vadd.f32 v39, v34;
	v36 =	vadd.f32 v36, v30;
	v30 =	vld.idx.msk [tilespmem:v43+s15+$0x0], $0xffff  }
0xc1: {  	s23 =	sadd.s32 $0x1, s23;
	v38 =	vunpack.i.u.bf16.f32 v40;
	v39 =	vunpack.i.l.bf16.f32 v40;
	v37 =	vmul.bf16 v37, v42;
	v34 =	vld.idx.msk [tilespmem:v43+s16+$0x0], $0xffff  }
0xc2: {  	_ =	sdelay $0x2  }
0xc3: {  	v40 =	vor.u32 v17, v26  }
0xc4: {  	v35 =	vadd.f32 v39, v35;
	v36 =	vadd.f32 v38, v36;
	v51 =	vld.idx.msk [tilespmem:v31+s15+$0x0], $0xffff;
	v29 =	vmul.bf16 v32, v29  }
0xc5: {  	v31 =	vld.idx.msk [tilespmem:v31+s16+$0x0], $0xffff;
	v54 =	vor.u32 v18, v25;
	v52 =	vunpack.i.l.bf16.f32 v37;
	v53 =	vunpack.i.u.bf16.f32 v37  }
0xc6: {  	v55 =	vld.idx.msk [tilespmem:v27+s15+$0x0], $0xffff;
	v57 =	vor.u32 v19, v26;
	v35 =	vadd.f32 v52, v35;
	v32 =	vadd.f32 v53, v36  }
0xc7: {  	v27 =	vld.idx.msk [tilespmem:v27+s16+$0x0], $0xffff;
	v56 =	vunpack.i.l.bf16.f32 v29;
	v28 =	vmul.bf16 v33, v28;
	v29 =	vunpack.i.u.bf16.f32 v29  }
0xc8: {  	v61 =	vor.u32 v20, v25;
	v35 =	vadd.f32 v56, v35;
	v29 =	vadd.f32 v29, v32;
	v58 =	vld.idx.msk [tilespmem:v40+s15+$0x0], $0xffff  }
0xc9: {  	v59 =	vunpack.i.l.bf16.f32 v28;
	v30 =	vmul.bf16 v34, v30;
	v28 =	vunpack.i.u.bf16.f32 v28;
	v60 =	vld.idx.msk [tilespmem:v40+s16+$0x0], $0xffff  }
0xca: {  	v63 =	vor.u32 v21, v26;
	v37 =	vld.idx.msk [tilespmem:v54+s16+$0x0], $0xffff;
	v35 =	vadd.f32 v59, v35;
	v28 =	vadd.f32 v28, v29  }
0xcb: {  	v31 =	vmul.bf16 v31, v51;
	v33 =	vld.idx.msk [tilespmem:v57+s16+$0x0], $0xffff;
	v62 =	vunpack.i.l.bf16.f32 v30;
	v30 =	vunpack.i.u.bf16.f32 v30  }
0xcc: {  	v43 =	vor.u32 v22, v25;
	v29 =	vld.idx.msk [tilespmem:v54+s15+$0x0], $0xffff;
	v35 =	vadd.f32 v62, v35;
	v28 =	vadd.f32 v30, v28  }
0xcd: {  	v27 =	vmul.bf16 v27, v55;
	v45 =	vld.idx.msk [tilespmem:v61+s16+$0x0], $0xffff;
	v42 =	vunpack.i.l.bf16.f32 v31;
	v31 =	vunpack.i.u.bf16.f32 v31  }
0xce: {  	v26 =	vor.u32 v23, v26;
	v30 =	vld.idx.msk [tilespmem:v57+s15+$0x0], $0xffff;
	v35 =	vadd.f32 v42, v35;
	v28 =	vadd.f32 v31, v28  }
0xcf: {  	v47 =	vld.idx.msk [tilespmem:v63+s16+$0x0], $0xffff;
	v44 =	vunpack.i.l.bf16.f32 v27;
	v27 =	vunpack.i.u.bf16.f32 v27;
	v32 =	vmul.bf16 v60, v58  }
0xd0: {  	v25 =	vor.u32 v24, v25;
	v31 =	vld.idx.msk [tilespmem:v61+s15+$0x0], $0xffff;
	v35 =	vadd.f32 v44, v35;
	v27 =	vadd.f32 v27, v28  }
0xd1: {  	v48 =	vld.idx.msk [tilespmem:v43+s15+$0x0], $0xffff;
	v29 =	vmul.bf16 v37, v29;
	v46 =	vunpack.i.l.bf16.f32 v32;
	v32 =	vunpack.i.u.bf16.f32 v32  }
0xd2: {  	v28 =	vld.idx.msk [tilespmem:v63+s15+$0x0], $0xffff;
	v35 =	vadd.f32 v46, v35;
	v27 =	vadd.f32 v32, v27  }
0xd3: {  	v50 =	vld.idx.msk [tilespmem:v43+s16+$0x0], $0xffff;
	v49 =	vunpack.i.l.bf16.f32 v29;
	v30 =	vmul.bf16 v33, v30;
	v29 =	vunpack.i.u.bf16.f32 v29  }
0xd4: {  	v35 =	vadd.f32 v49, v35;
	v27 =	vadd.f32 v29, v27;
	v29 =	vld.idx.msk [tilespmem:v26+s15+$0x0], $0xffff  }
0xd5: {  	v51 =	vunpack.i.l.bf16.f32 v30;
	v31 =	vmul.bf16 v45, v31;
	v30 =	vunpack.i.u.bf16.f32 v30;
	v26 =	vld.idx.msk [tilespmem:v26+s16+$0x0], $0xffff  }
0xd6: {  	v52 =	vadd.f32 v51, v35;
	v27 =	vadd.f32 v30, v27;
	v30 =	vld.idx.msk [tilespmem:v25+s15+$0x0], $0xffff  }
0xd7: {  	v53 =	vunpack.i.l.bf16.f32 v31;
	v28 =	vmul.bf16 v47, v28;
	v31 =	vunpack.i.u.bf16.f32 v31;
	v25 =	vld.idx.msk [tilespmem:v25+s16+$0x0], $0xffff  }
0xd8: {  	v34 =	vadd.f32 v53, v52;
	v27 =	vadd.f32 v31, v27  }
0xd9: {  	v32 =	vmul.bf16 v50, v48;
	v31 =	vunpack.i.l.bf16.f32 v28;
	v28 =	vunpack.i.u.bf16.f32 v28  }
0xda: {  	v31 =	vadd.f32 v31, v34;
	v27 =	vadd.f32 v28, v27  }
0xdb: {  	v26 =	vmul.bf16 v26, v29;
	v29 =	vunpack.i.u.bf16.f32 v32;
	v28 =	vunpack.i.l.bf16.f32 v32  }
0xdc: {  	s23 =	simm.s32 $0x0;
	v25 =	vmul.bf16 v25, v30;
	v28 =	vadd.f32 v28, v31;
	v27 =	vadd.f32 v29, v27  }
0xdd: {  	v30 =	vadd.s32 s23, v0;
	v29 =	vunpack.i.l.bf16.f32 v26;
	v26 =	vunpack.i.u.bf16.f32 v26  }
0xde: {  	v31 =	vor.u32 $0x1800, v1;
	v28 =	vadd.f32 v29, v28;
	v26 =	vadd.f32 v26, v27  }
0xdf: {  	v54 =	vand.u32 $0xF, v30;
	v27 =	vunpack.i.u.bf16.f32 v25;
	v25 =	vunpack.i.l.bf16.f32 v25  }
0xe0: {  	v25 =	vadd.f32 v25, v28;
	v26 =	vadd.f32 v27, v26;
	v27 =	vor.u32 v31, v54  }
0xe1: {  	v29 =	vor.u32 $0x1830, v1  }
0xe2: {  	v33 =	vor.u32 $0x1810, v1;
	v56 =	vor.u32 v29, v30;
	v25 =	vadd.f32 v26, v25  }
0xe3: {  	v26 =	vor.u32 v33, v30  }
0xe4: {  	v32 =	vor.u32 $0x1820, v1;
	[tilespmem:s22+$0x1DFB0] =	vst v25  }
0xe5: {  	v25 =	vor.u32 v32, v54;
	v55 =	vld.idx.msk [tilespmem:v27+s15+$0x0], $0xffff  }
0xe6: {  	v57 =	vld.idx.msk [tilespmem:v27+s16+$0x0], $0xffff  }
0xe7: {  	v28 =	vor.u32 $0x1840, v1;
	v44 =	vld.idx.msk [tilespmem:v56+s15+$0x0], $0xffff  }
0xe8: {  	v60 =	vor.u32 v28, v54;
	v58 =	vld.idx.msk [tilespmem:v26+s15+$0x0], $0xffff  }
0xe9: {  	v27 =	vor.u32 $0x1850, v1;
	v59 =	vld.idx.msk [tilespmem:v26+s16+$0x0], $0xffff  }
0xea: {  	v43 =	vor.u32 v27, v30;
	v41 =	vld.idx.msk [tilespmem:v25+s15+$0x0], $0xffff  }
0xeb: {  	v26 =	vor.u32 $0x1860, v1;
	v42 =	vld.idx.msk [tilespmem:v25+s16+$0x0], $0xffff  }
0xec: {  	v45 =	vld.idx.msk [tilespmem:v56+s16+$0x0], $0xffff;
	v46 =	vor.u32 v26, v54;
	v25 =	vor.u32 $0x1870, v1;
	v37 =	vmul.bf16 v57, v55  }
0xed: {  	v61 =	vimm.f32 $0.0e+00;
	v36 =	vld.idx.msk [tilespmem:v60+s15+$0x0], $0xffff;
	v35 =	vor.u32 v25, v30  }
0xee: {  	s31 =	simm.s32 $0x1;
	v40 =	vld.idx.msk [tilespmem:v60+s16+$0x0], $0xffff;
	v47 =	vunpack.i.u.bf16.f32 v37;
	v37 =	vunpack.i.l.bf16.f32 v37;
	v38 =	vmul.bf16 v59, v58  }
0xef: {  	v30 =	vadd.s32 s31, v0;
	v62 =	vadd.f32 v37, v61;
	v47 =	vadd.f32 v47, v61;
	v37 =	vld.idx.msk [tilespmem:v43+s15+$0x0], $0xffff  }
0xf0: {  	v48 =	vunpack.i.u.bf16.f32 v38;
	v38 =	vunpack.i.l.bf16.f32 v38;
	v42 =	vmul.bf16 v42, v41;
	v41 =	vld.idx.msk [tilespmem:v43+s16+$0x0], $0xffff  }
0xf1: {  	v44 =	vmul.bf16 v45, v44;
	v43 =	vld.idx.msk [tilespmem:v46+s16+$0x0], $0xffff;
	v39 =	vadd.f32 v38, v62;
	v47 =	vadd.f32 v48, v47  }
0xf2: {  	v34 =	vand.u32 $0xF, v30;
	v38 =	vld.idx.msk [tilespmem:v46+s15+$0x0], $0xffff;
	v63 =	vunpack.i.u.bf16.f32 v42;
	v49 =	vunpack.i.l.bf16.f32 v42  }
0xf3: {  	s23 =	simm.s32 $0x2;
	v42 =	vor.u32 v31, v34;
	v46 =	vadd.f32 v49, v39;
	v45 =	vadd.f32 v63, v47;
	v39 =	vld.idx.msk [tilespmem:v35+s15+$0x0], $0xffff  }
.LBB2_9:
0xf4: {  	p0 =	sne.s32 s23, $0xF;
	v47 =	vunpack.i.u.bf16.f32 v44;
	v44 =	vunpack.i.l.bf16.f32 v44;
	v36 =	vmul.bf16 v40, v36;
	v35 =	vld.idx.msk [tilespmem:v35+s16+$0x0], $0xffff  }
0xf5: {  	v40 =	vor.u32 v33, v30;
	v44 =	vadd.f32 v44, v46;
	v45 =	vadd.f32 v47, v45  }
0xf6: {  	v37 =	vmul.bf16 v41, v37;
	v46 =	vunpack.i.u.bf16.f32 v36;
	v36 =	vunpack.i.l.bf16.f32 v36  }
0xf7: {  	v41 =	vor.u32 v32, v34;
	v36 =	vadd.f32 v36, v44;
	v44 =	vadd.f32 v46, v45  }
0xf8: {  	v45 =	vunpack.i.u.bf16.f32 v37;
	v37 =	vunpack.i.l.bf16.f32 v37;
	v38 =	vmul.bf16 v43, v38  }
0xf9: {  	v46 =	vor.u32 v29, v30;
	v43 =	vld.idx.msk [tilespmem:v42+s15+$0x0], $0xffff;
	v36 =	vadd.f32 v37, v36;
	v37 =	vadd.f32 v45, v44  }
0xfa: {  	v44 =	vunpack.i.u.bf16.f32 v38;
	v38 =	vunpack.i.l.bf16.f32 v38;
	v35 =	vmul.bf16 v35, v39;
	v42 =	vld.idx.msk [tilespmem:v42+s16+$0x0], $0xffff  }
0xfb: {  	v39 =	vld.idx.msk [tilespmem:v40+s15+$0x0], $0xffff;
	v36 =	vadd.f32 v38, v36;
	v37 =	vadd.f32 v44, v37  }
0xfc: {  	v44 =	vunpack.i.u.bf16.f32 v35;
	v35 =	vunpack.i.l.bf16.f32 v35;
	v38 =	vld.idx.msk [tilespmem:v40+s16+$0x0], $0xffff;
	v40 =	vor.u32 v28, v34  }
0xfd: {  	v45 =	vld.idx.msk [tilespmem:v41+s15+$0x0], $0xffff;
	v47 =	vadd.f32 v35, v36;
	v37 =	vadd.f32 v44, v37  }
0xfe: {  	v44 =	vor.u32 v27, v30;
	v41 =	vld.idx.msk [tilespmem:v41+s16+$0x0], $0xffff  }
0xff: {  	v48 =	vld.idx.msk [tilespmem:v46+s15+$0x0], $0xffff  }
0x100: {  	v42 =	vmul.bf16 v42, v43;
	v43 =	vld.idx.msk [tilespmem:v46+s16+$0x0], $0xffff;
	v46 =	vor.u32 v26, v34  }
0x101: {  	v35 =	vor.u32 v25, v30;
	v36 =	vld.idx.msk [tilespmem:v40+s15+$0x0], $0xffff  }
0x102: {  	v34 =	vunpack.i.u.bf16.f32 v42;
	v42 =	vunpack.i.l.bf16.f32 v42;
	v38 =	vmul.bf16 v38, v39;
	v40 =	vld.idx.msk [tilespmem:v40+s16+$0x0], $0xffff  }
.Ltmp3:
0x103: {  	v30 =	vadd.s32 s23, v0;
	v39 =	vadd.f32 v42, v47;
	v42 =	vadd.f32 v34, v37;
	v37 =	vld.idx.msk [tilespmem:v44+s15+$0x0], $0xffff;
	(pc) =	sbr.rel @p0 .LBB2_9-.Ltmp3, $4  }
0x104: {  	v47 =	vunpack.i.u.bf16.f32 v38;
	v38 =	vunpack.i.l.bf16.f32 v38;
	v45 =	vmul.bf16 v41, v45;
	v41 =	vld.idx.msk [tilespmem:v44+s16+$0x0], $0xffff  }
0x105: {  	v34 =	vand.u32 $0xF, v30;
	v39 =	vadd.f32 v38, v39;
	v47 =	vadd.f32 v47, v42;
	v38 =	vld.idx.msk [tilespmem:v46+s15+$0x0], $0xffff  }
0x106: {  	v49 =	vunpack.i.u.bf16.f32 v45;
	v45 =	vunpack.i.l.bf16.f32 v45;
	v44 =	vmul.bf16 v43, v48;
	v43 =	vld.idx.msk [tilespmem:v46+s16+$0x0], $0xffff  }
0x107: {  	s23 =	sadd.s32 $0x1, s23;
	v42 =	vor.u32 v31, v34;
	v46 =	vadd.f32 v45, v39;
	v45 =	vadd.f32 v49, v47;
	v39 =	vld.idx.msk [tilespmem:v35+s15+$0x0], $0xffff  }
0x108: {  	_ =	sdelay $0x1  }
0x109: {  	v31 =	vor.u32 v33, v30  }
0x10a: {  	v51 =	vunpack.i.l.bf16.f32 v44  }
0x10b: {  	v36 =	vmul.bf16 v40, v36;
	v52 =	vunpack.i.u.bf16.f32 v44;
	v35 =	vld.idx.msk [tilespmem:v35+s16+$0x0], $0xffff;
	v32 =	vor.u32 v32, v34  }
0x10c: {  	v54 =	vld.idx.msk [tilespmem:v42+s15+$0x0], $0xffff;
	v29 =	vor.u32 v29, v30;
	v33 =	vadd.f32 v51, v46;
	v40 =	vadd.f32 v52, v45  }
0x10d: {  	v55 =	vld.idx.msk [tilespmem:v42+s16+$0x0], $0xffff;
	v37 =	vmul.bf16 v41, v37;
	v53 =	vunpack.i.l.bf16.f32 v36;
	v36 =	vunpack.i.u.bf16.f32 v36  }
0x10e: {  	v28 =	vor.u32 v28, v34;
	v33 =	vadd.f32 v53, v33;
	v36 =	vadd.f32 v36, v40;
	v57 =	vld.idx.msk [tilespmem:v31+s15+$0x0], $0xffff  }
0x10f: {  	v56 =	vunpack.i.l.bf16.f32 v37;
	v38 =	vmul.bf16 v43, v38;
	v37 =	vunpack.i.u.bf16.f32 v37;
	v31 =	vld.idx.msk [tilespmem:v31+s16+$0x0], $0xffff  }
0x110: {  	v27 =	vor.u32 v27, v30;
	v33 =	vadd.f32 v56, v33;
	v36 =	vadd.f32 v37, v36;
	v59 =	vld.idx.msk [tilespmem:v32+s15+$0x0], $0xffff  }
0x111: {  	v58 =	vunpack.i.l.bf16.f32 v38;
	v35 =	vmul.bf16 v35, v39;
	v38 =	vunpack.i.u.bf16.f32 v38;
	v32 =	vld.idx.msk [tilespmem:v32+s16+$0x0], $0xffff  }
0x112: {  	v25 =	vor.u32 v25, v30;
	v61 =	vld.idx.msk [tilespmem:v29+s15+$0x0], $0xffff;
	v33 =	vadd.f32 v58, v33;
	v36 =	vadd.f32 v38, v36  }
0x113: {  	v62 =	vmul.bf16 v55, v54;
	v29 =	vld.idx.msk [tilespmem:v29+s16+$0x0], $0xffff;
	v60 =	vunpack.i.l.bf16.f32 v35;
	v35 =	vunpack.i.u.bf16.f32 v35  }
0x114: {  	v26 =	vor.u32 v26, v34;
	v41 =	vld.idx.msk [tilespmem:v28+s15+$0x0], $0xffff;
	v33 =	vadd.f32 v60, v33;
	v63 =	vadd.f32 v35, v36  }
0x115: {  	v28 =	vld.idx.msk [tilespmem:v28+s16+$0x0], $0xffff;
	v42 =	vunpack.i.l.bf16.f32 v62;
	v30 =	vunpack.i.u.bf16.f32 v62;
	v31 =	vmul.bf16 v31, v57  }
0x116: {  	v43 =	vld.idx.msk [tilespmem:v27+s15+$0x0], $0xffff;
	v33 =	vadd.f32 v42, v33;
	v30 =	vadd.f32 v30, v63  }
0x117: {  	v27 =	vld.idx.msk [tilespmem:v27+s16+$0x0], $0xffff;
	v32 =	vmul.bf16 v32, v59;
	v44 =	vunpack.i.l.bf16.f32 v31;
	v31 =	vunpack.i.u.bf16.f32 v31  }
0x118: {  	v46 =	vld.idx.msk [tilespmem:v25+s15+$0x0], $0xffff;
	v33 =	vadd.f32 v44, v33;
	v30 =	vadd.f32 v31, v30  }
0x119: {  	v29 =	vmul.bf16 v29, v61;
	v45 =	vunpack.i.l.bf16.f32 v32;
	v32 =	vunpack.i.u.bf16.f32 v32;
	v31 =	vld.idx.msk [tilespmem:v26+s15+$0x0], $0xffff  }
0x11a: {  	v26 =	vld.idx.msk [tilespmem:v26+s16+$0x0], $0xffff;
	v33 =	vadd.f32 v45, v33;
	v30 =	vadd.f32 v32, v30  }
0x11b: {  	v25 =	vld.idx.msk [tilespmem:v25+s16+$0x0], $0xffff;
	v28 =	vmul.bf16 v28, v41;
	v47 =	vunpack.i.l.bf16.f32 v29;
	v29 =	vunpack.i.u.bf16.f32 v29  }
0x11c: {  	v33 =	vadd.f32 v47, v33;
	v29 =	vadd.f32 v29, v30  }
0x11d: {  	v27 =	vmul.bf16 v27, v43;
	v30 =	vunpack.i.l.bf16.f32 v28;
	v28 =	vunpack.i.u.bf16.f32 v28  }
0x11e: {  	v30 =	vadd.f32 v30, v33;
	v28 =	vadd.f32 v28, v29  }
0x11f: {  	v26 =	vmul.bf16 v26, v31;
	v29 =	vunpack.i.l.bf16.f32 v27;
	v27 =	vunpack.i.u.bf16.f32 v27  }
0x120: {  	v25 =	vmul.bf16 v25, v46;
	v29 =	vadd.f32 v29, v30;
	v27 =	vadd.f32 v27, v28  }
0x121: {  	s23 =	simm.s32 $0x0;
	v31 =	vor.u32 $0x2000, v1;
	v28 =	vunpack.i.l.bf16.f32 v26;
	v26 =	vunpack.i.u.bf16.f32 v26  }
0x122: {  	v30 =	vadd.s32 s23, v0;
	v28 =	vadd.f32 v28, v29;
	v26 =	vadd.f32 v26, v27  }
0x123: {  	v48 =	vand.u32 $0xF, v30;
	v27 =	vunpack.i.u.bf16.f32 v25;
	v25 =	vunpack.i.l.bf16.f32 v25  }
0x124: {  	v25 =	vadd.f32 v25, v28;
	v26 =	vadd.f32 v27, v26;
	v27 =	vor.u32 v31, v48  }
0x125: {  	v29 =	vor.u32 $0x2030, v1  }
0x126: {  	v33 =	vor.u32 $0x2010, v1;
	v50 =	vor.u32 v29, v30;
	v25 =	vadd.f32 v26, v25  }
0x127: {  	v26 =	vor.u32 v33, v30  }
0x128: {  	v32 =	vor.u32 $0x2020, v1;
	[tilespmem:s22+$0x1DFC0] =	vst v25  }
0x129: {  	v25 =	vor.u32 v32, v48;
	v49 =	vld.idx.msk [tilespmem:v27+s15+$0x0], $0xffff  }
0x12a: {  	v51 =	vld.idx.msk [tilespmem:v27+s16+$0x0], $0xffff  }
0x12b: {  	v28 =	vor.u32 $0x2040, v1;
	v58 =	vld.idx.msk [tilespmem:v50+s15+$0x0], $0xffff  }
0x12c: {  	v54 =	vor.u32 v28, v48;
	v52 =	vld.idx.msk [tilespmem:v26+s15+$0x0], $0xffff  }
0x12d: {  	v27 =	vor.u32 $0x2050, v1;
	v53 =	vld.idx.msk [tilespmem:v26+s16+$0x0], $0xffff  }
0x12e: {  	v57 =	vor.u32 v27, v30;
	v55 =	vld.idx.msk [tilespmem:v25+s15+$0x0], $0xffff  }
0x12f: {  	v26 =	vor.u32 $0x2060, v1;
	v56 =	vld.idx.msk [tilespmem:v25+s16+$0x0], $0xffff  }
0x130: {  	v59 =	vld.idx.msk [tilespmem:v50+s16+$0x0], $0xffff;
	v60 =	vor.u32 v26, v48;
	v25 =	vor.u32 $0x2070, v1;
	v37 =	vmul.bf16 v51, v49  }
0x131: {  	v61 =	vimm.f32 $0.0e+00;
	v36 =	vld.idx.msk [tilespmem:v54+s15+$0x0], $0xffff;
	v35 =	vor.u32 v25, v30  }
0x132: {  	s31 =	simm.s32 $0x1;
	v40 =	vld.idx.msk [tilespmem:v54+s16+$0x0], $0xffff;
	v47 =	vunpack.i.u.bf16.f32 v37;
	v37 =	vunpack.i.l.bf16.f32 v37;
	v38 =	vmul.bf16 v53, v52  }
0x133: {  	v30 =	vadd.s32 s31, v0;
	v41 =	vld.idx.msk [tilespmem:v57+s16+$0x0], $0xffff;
	v62 =	vadd.f32 v37, v61;
	v47 =	vadd.f32 v47, v61  }
0x134: {  	v37 =	vld.idx.msk [tilespmem:v57+s15+$0x0], $0xffff;
	v48 =	vunpack.i.u.bf16.f32 v38;
	v38 =	vunpack.i.l.bf16.f32 v38;
	v42 =	vmul.bf16 v56, v55  }
0x135: {  	v44 =	vmul.bf16 v59, v58;
	v43 =	vld.idx.msk [tilespmem:v60+s16+$0x0], $0xffff;
	v39 =	vadd.f32 v38, v62;
	v47 =	vadd.f32 v48, v47  }
0x136: {  	v34 =	vand.u32 $0xF, v30;
	v38 =	vld.idx.msk [tilespmem:v60+s15+$0x0], $0xffff;
	v63 =	vunpack.i.u.bf16.f32 v42;
	v49 =	vunpack.i.l.bf16.f32 v42  }
0x137: {  	s23 =	simm.s32 $0x2;
	v42 =	vor.u32 v31, v34;
	v46 =	vadd.f32 v49, v39;
	v45 =	vadd.f32 v63, v47;
	v39 =	vld.idx.msk [tilespmem:v35+s15+$0x0], $0xffff  }
.LBB2_11:
0x138: {  	p0 =	sne.s32 s23, $0xF;
	v47 =	vunpack.i.u.bf16.f32 v44;
	v44 =	vunpack.i.l.bf16.f32 v44;
	v36 =	vmul.bf16 v40, v36;
	v35 =	vld.idx.msk [tilespmem:v35+s16+$0x0], $0xffff  }
0x139: {  	v40 =	vor.u32 v33, v30;
	v44 =	vadd.f32 v44, v46;
	v45 =	vadd.f32 v47, v45  }
0x13a: {  	v37 =	vmul.bf16 v41, v37;
	v46 =	vunpack.i.u.bf16.f32 v36;
	v36 =	vunpack.i.l.bf16.f32 v36  }
0x13b: {  	v41 =	vor.u32 v32, v34;
	v36 =	vadd.f32 v36, v44;
	v44 =	vadd.f32 v46, v45  }
0x13c: {  	v45 =	vunpack.i.u.bf16.f32 v37;
	v37 =	vunpack.i.l.bf16.f32 v37;
	v38 =	vmul.bf16 v43, v38  }
0x13d: {  	v46 =	vor.u32 v29, v30;
	v43 =	vld.idx.msk [tilespmem:v42+s15+$0x0], $0xffff;
	v36 =	vadd.f32 v37, v36;
	v37 =	vadd.f32 v45, v44  }
0x13e: {  	v44 =	vunpack.i.u.bf16.f32 v38;
	v38 =	vunpack.i.l.bf16.f32 v38;
	v35 =	vmul.bf16 v35, v39;
	v42 =	vld.idx.msk [tilespmem:v42+s16+$0x0], $0xffff  }
0x13f: {  	v39 =	vld.idx.msk [tilespmem:v40+s15+$0x0], $0xffff;
	v36 =	vadd.f32 v38, v36;
	v37 =	vadd.f32 v44, v37  }
0x140: {  	v44 =	vunpack.i.u.bf16.f32 v35;
	v35 =	vunpack.i.l.bf16.f32 v35;
	v38 =	vld.idx.msk [tilespmem:v40+s16+$0x0], $0xffff;
	v40 =	vor.u32 v28, v34  }
0x141: {  	v45 =	vld.idx.msk [tilespmem:v41+s15+$0x0], $0xffff;
	v47 =	vadd.f32 v35, v36;
	v37 =	vadd.f32 v44, v37  }
0x142: {  	v44 =	vor.u32 v27, v30;
	v41 =	vld.idx.msk [tilespmem:v41+s16+$0x0], $0xffff  }
0x143: {  	v48 =	vld.idx.msk [tilespmem:v46+s15+$0x0], $0xffff  }
0x144: {  	v42 =	vmul.bf16 v42, v43;
	v43 =	vld.idx.msk [tilespmem:v46+s16+$0x0], $0xffff;
	v46 =	vor.u32 v26, v34  }
0x145: {  	v35 =	vor.u32 v25, v30;
	v36 =	vld.idx.msk [tilespmem:v40+s15+$0x0], $0xffff  }
0x146: {  	v34 =	vunpack.i.u.bf16.f32 v42;
	v42 =	vunpack.i.l.bf16.f32 v42;
	v38 =	vmul.bf16 v38, v39;
	v40 =	vld.idx.msk [tilespmem:v40+s16+$0x0], $0xffff  }
.Ltmp4:
0x147: {  	v30 =	vadd.s32 s23, v0;
	v39 =	vadd.f32 v42, v47;
	v42 =	vadd.f32 v34, v37;
	v37 =	vld.idx.msk [tilespmem:v44+s15+$0x0], $0xffff;
	(pc) =	sbr.rel @p0 .LBB2_11-.Ltmp4, $4  }
0x148: {  	v47 =	vunpack.i.u.bf16.f32 v38;
	v38 =	vunpack.i.l.bf16.f32 v38;
	v45 =	vmul.bf16 v41, v45;
	v41 =	vld.idx.msk [tilespmem:v44+s16+$0x0], $0xffff  }
0x149: {  	v34 =	vand.u32 $0xF, v30;
	v39 =	vadd.f32 v38, v39;
	v47 =	vadd.f32 v47, v42;
	v38 =	vld.idx.msk [tilespmem:v46+s15+$0x0], $0xffff  }
0x14a: {  	v49 =	vunpack.i.u.bf16.f32 v45;
	v45 =	vunpack.i.l.bf16.f32 v45;
	v44 =	vmul.bf16 v43, v48;
	v43 =	vld.idx.msk [tilespmem:v46+s16+$0x0], $0xffff  }
0x14b: {  	s23 =	sadd.s32 $0x1, s23;
	v42 =	vor.u32 v31, v34;
	v46 =	vadd.f32 v45, v39;
	v45 =	vadd.f32 v49, v47;
	v39 =	vld.idx.msk [tilespmem:v35+s15+$0x0], $0xffff  }
0x14c: {  	_ =	sdelay $0x1  }
0x14d: {  	v31 =	vor.u32 v33, v30  }
0x14e: {  	v51 =	vunpack.i.l.bf16.f32 v44  }
0x14f: {  	v36 =	vmul.bf16 v40, v36;
	v52 =	vunpack.i.u.bf16.f32 v44;
	v35 =	vld.idx.msk [tilespmem:v35+s16+$0x0], $0xffff;
	v32 =	vor.u32 v32, v34  }
0x150: {  	v54 =	vld.idx.msk [tilespmem:v42+s15+$0x0], $0xffff;
	v29 =	vor.u32 v29, v30;
	v33 =	vadd.f32 v51, v46;
	v40 =	vadd.f32 v52, v45  }
0x151: {  	v55 =	vld.idx.msk [tilespmem:v42+s16+$0x0], $0xffff;
	v37 =	vmul.bf16 v41, v37;
	v53 =	vunpack.i.l.bf16.f32 v36;
	v36 =	vunpack.i.u.bf16.f32 v36  }
0x152: {  	v28 =	vor.u32 v28, v34;
	v33 =	vadd.f32 v53, v33;
	v36 =	vadd.f32 v36, v40;
	v57 =	vld.idx.msk [tilespmem:v31+s15+$0x0], $0xffff  }
0x153: {  	v56 =	vunpack.i.l.bf16.f32 v37;
	v38 =	vmul.bf16 v43, v38;
	v37 =	vunpack.i.u.bf16.f32 v37;
	v31 =	vld.idx.msk [tilespmem:v31+s16+$0x0], $0xffff  }
0x154: {  	v27 =	vor.u32 v27, v30;
	v33 =	vadd.f32 v56, v33;
	v36 =	vadd.f32 v37, v36;
	v59 =	vld.idx.msk [tilespmem:v32+s15+$0x0], $0xffff  }
0x155: {  	v58 =	vunpack.i.l.bf16.f32 v38;
	v35 =	vmul.bf16 v35, v39;
	v38 =	vunpack.i.u.bf16.f32 v38;
	v32 =	vld.idx.msk [tilespmem:v32+s16+$0x0], $0xffff  }
0x156: {  	v25 =	vor.u32 v25, v30;
	v61 =	vld.idx.msk [tilespmem:v29+s15+$0x0], $0xffff;
	v33 =	vadd.f32 v58, v33;
	v36 =	vadd.f32 v38, v36  }
0x157: {  	v62 =	vmul.bf16 v55, v54;
	v29 =	vld.idx.msk [tilespmem:v29+s16+$0x0], $0xffff;
	v60 =	vunpack.i.l.bf16.f32 v35;
	v35 =	vunpack.i.u.bf16.f32 v35  }
0x158: {  	v26 =	vor.u32 v26, v34;
	v41 =	vld.idx.msk [tilespmem:v28+s15+$0x0], $0xffff;
	v33 =	vadd.f32 v60, v33;
	v63 =	vadd.f32 v35, v36  }
0x159: {  	v28 =	vld.idx.msk [tilespmem:v28+s16+$0x0], $0xffff;
	v42 =	vunpack.i.l.bf16.f32 v62;
	v30 =	vunpack.i.u.bf16.f32 v62;
	v31 =	vmul.bf16 v31, v57  }
0x15a: {  	v43 =	vld.idx.msk [tilespmem:v27+s15+$0x0], $0xffff;
	v33 =	vadd.f32 v42, v33;
	v30 =	vadd.f32 v30, v63  }
0x15b: {  	v27 =	vld.idx.msk [tilespmem:v27+s16+$0x0], $0xffff;
	v32 =	vmul.bf16 v32, v59;
	v44 =	vunpack.i.l.bf16.f32 v31;
	v31 =	vunpack.i.u.bf16.f32 v31  }
0x15c: {  	v46 =	vld.idx.msk [tilespmem:v25+s15+$0x0], $0xffff;
	v33 =	vadd.f32 v44, v33;
	v30 =	vadd.f32 v31, v30  }
0x15d: {  	v29 =	vmul.bf16 v29, v61;
	v45 =	vunpack.i.l.bf16.f32 v32;
	v32 =	vunpack.i.u.bf16.f32 v32;
	v31 =	vld.idx.msk [tilespmem:v26+s15+$0x0], $0xffff  }
0x15e: {  	v26 =	vld.idx.msk [tilespmem:v26+s16+$0x0], $0xffff;
	v33 =	vadd.f32 v45, v33;
	v30 =	vadd.f32 v32, v30  }
0x15f: {  	v25 =	vld.idx.msk [tilespmem:v25+s16+$0x0], $0xffff;
	v28 =	vmul.bf16 v28, v41;
	v47 =	vunpack.i.l.bf16.f32 v29;
	v29 =	vunpack.i.u.bf16.f32 v29  }
0x160: {  	v33 =	vadd.f32 v47, v33;
	v29 =	vadd.f32 v29, v30  }
0x161: {  	v27 =	vmul.bf16 v27, v43;
	v30 =	vunpack.i.l.bf16.f32 v28;
	v28 =	vunpack.i.u.bf16.f32 v28  }
0x162: {  	v30 =	vadd.f32 v30, v33;
	v28 =	vadd.f32 v28, v29  }
0x163: {  	v26 =	vmul.bf16 v26, v31;
	v29 =	vunpack.i.l.bf16.f32 v27;
	v27 =	vunpack.i.u.bf16.f32 v27  }
0x164: {  	v25 =	vmul.bf16 v25, v46;
	v29 =	vadd.f32 v29, v30;
	v27 =	vadd.f32 v27, v28  }
0x165: {  	s23 =	simm.s32 $0x0;
	v31 =	vor.u32 $0x2800, v1;
	v28 =	vunpack.i.l.bf16.f32 v26;
	v26 =	vunpack.i.u.bf16.f32 v26  }
0x166: {  	v30 =	vadd.s32 s23, v0;
	v28 =	vadd.f32 v28, v29;
	v26 =	vadd.f32 v26, v27  }
0x167: {  	v48 =	vand.u32 $0xF, v30;
	v27 =	vunpack.i.u.bf16.f32 v25;
	v25 =	vunpack.i.l.bf16.f32 v25  }
0x168: {  	v25 =	vadd.f32 v25, v28;
	v26 =	vadd.f32 v27, v26;
	v27 =	vor.u32 v31, v48  }
0x169: {  	v29 =	vor.u32 $0x2830, v1  }
0x16a: {  	v33 =	vor.u32 $0x2810, v1;
	v50 =	vor.u32 v29, v30;
	v25 =	vadd.f32 v26, v25  }
0x16b: {  	v26 =	vor.u32 v33, v30  }
0x16c: {  	v32 =	vor.u32 $0x2820, v1;
	[tilespmem:s22+$0x1DFD0] =	vst v25  }
0x16d: {  	v25 =	vor.u32 v32, v48;
	v49 =	vld.idx.msk [tilespmem:v27+s15+$0x0], $0xffff  }
0x16e: {  	v51 =	vld.idx.msk [tilespmem:v27+s16+$0x0], $0xffff  }
0x16f: {  	v28 =	vor.u32 $0x2840, v1;
	v58 =	vld.idx.msk [tilespmem:v50+s15+$0x0], $0xffff  }
0x170: {  	v54 =	vor.u32 v28, v48;
	v52 =	vld.idx.msk [tilespmem:v26+s15+$0x0], $0xffff  }
0x171: {  	v27 =	vor.u32 $0x2850, v1;
	v53 =	vld.idx.msk [tilespmem:v26+s16+$0x0], $0xffff  }
0x172: {  	v57 =	vor.u32 v27, v30;
	v55 =	vld.idx.msk [tilespmem:v25+s15+$0x0], $0xffff  }
0x173: {  	v26 =	vor.u32 $0x2860, v1;
	v56 =	vld.idx.msk [tilespmem:v25+s16+$0x0], $0xffff  }
0x174: {  	v59 =	vld.idx.msk [tilespmem:v50+s16+$0x0], $0xffff;
	v60 =	vor.u32 v26, v48;
	v25 =	vor.u32 $0x2870, v1;
	v37 =	vmul.bf16 v51, v49  }
0x175: {  	v61 =	vimm.f32 $0.0e+00;
	v36 =	vld.idx.msk [tilespmem:v54+s15+$0x0], $0xffff;
	v35 =	vor.u32 v25, v30  }
0x176: {  	s31 =	simm.s32 $0x1;
	v40 =	vld.idx.msk [tilespmem:v54+s16+$0x0], $0xffff;
	v47 =	vunpack.i.u.bf16.f32 v37;
	v37 =	vunpack.i.l.bf16.f32 v37;
	v38 =	vmul.bf16 v53, v52  }
0x177: {  	v30 =	vadd.s32 s31, v0;
	v41 =	vld.idx.msk [tilespmem:v57+s16+$0x0], $0xffff;
	v62 =	vadd.f32 v37, v61;
	v47 =	vadd.f32 v47, v61  }
0x178: {  	v37 =	vld.idx.msk [tilespmem:v57+s15+$0x0], $0xffff;
	v48 =	vunpack.i.u.bf16.f32 v38;
	v38 =	vunpack.i.l.bf16.f32 v38;
	v42 =	vmul.bf16 v56, v55  }
0x179: {  	v44 =	vmul.bf16 v59, v58;
	v43 =	vld.idx.msk [tilespmem:v60+s16+$0x0], $0xffff;
	v39 =	vadd.f32 v38, v62;
	v47 =	vadd.f32 v48, v47  }
0x17a: {  	v34 =	vand.u32 $0xF, v30;
	v38 =	vld.idx.msk [tilespmem:v60+s15+$0x0], $0xffff;
	v63 =	vunpack.i.u.bf16.f32 v42;
	v49 =	vunpack.i.l.bf16.f32 v42  }
0x17b: {  	s23 =	simm.s32 $0x2;
	v42 =	vor.u32 v31, v34;
	v46 =	vadd.f32 v49, v39;
	v45 =	vadd.f32 v63, v47;
	v39 =	vld.idx.msk [tilespmem:v35+s15+$0x0], $0xffff  }
.LBB2_13:
0x17c: {  	p0 =	sne.s32 s23, $0xF;
	v47 =	vunpack.i.u.bf16.f32 v44;
	v44 =	vunpack.i.l.bf16.f32 v44;
	v36 =	vmul.bf16 v40, v36;
	v35 =	vld.idx.msk [tilespmem:v35+s16+$0x0], $0xffff  }
0x17d: {  	v40 =	vor.u32 v33, v30;
	v44 =	vadd.f32 v44, v46;
	v45 =	vadd.f32 v47, v45  }
0x17e: {  	v37 =	vmul.bf16 v41, v37;
	v46 =	vunpack.i.u.bf16.f32 v36;
	v36 =	vunpack.i.l.bf16.f32 v36  }
0x17f: {  	v41 =	vor.u32 v32, v34;
	v36 =	vadd.f32 v36, v44;
	v44 =	vadd.f32 v46, v45  }
0x180: {  	v45 =	vunpack.i.u.bf16.f32 v37;
	v37 =	vunpack.i.l.bf16.f32 v37;
	v38 =	vmul.bf16 v43, v38  }
0x181: {  	v46 =	vor.u32 v29, v30;
	v43 =	vld.idx.msk [tilespmem:v42+s15+$0x0], $0xffff;
	v36 =	vadd.f32 v37, v36;
	v37 =	vadd.f32 v45, v44  }
0x182: {  	v44 =	vunpack.i.u.bf16.f32 v38;
	v38 =	vunpack.i.l.bf16.f32 v38;
	v35 =	vmul.bf16 v35, v39;
	v42 =	vld.idx.msk [tilespmem:v42+s16+$0x0], $0xffff  }
0x183: {  	v39 =	vld.idx.msk [tilespmem:v40+s15+$0x0], $0xffff;
	v36 =	vadd.f32 v38, v36;
	v37 =	vadd.f32 v44, v37  }
0x184: {  	v44 =	vunpack.i.u.bf16.f32 v35;
	v35 =	vunpack.i.l.bf16.f32 v35;
	v38 =	vld.idx.msk [tilespmem:v40+s16+$0x0], $0xffff;
	v40 =	vor.u32 v28, v34  }
0x185: {  	v45 =	vld.idx.msk [tilespmem:v41+s15+$0x0], $0xffff;
	v47 =	vadd.f32 v35, v36;
	v37 =	vadd.f32 v44, v37  }
0x186: {  	v44 =	vor.u32 v27, v30;
	v41 =	vld.idx.msk [tilespmem:v41+s16+$0x0], $0xffff  }
0x187: {  	v48 =	vld.idx.msk [tilespmem:v46+s15+$0x0], $0xffff  }
0x188: {  	v42 =	vmul.bf16 v42, v43;
	v43 =	vld.idx.msk [tilespmem:v46+s16+$0x0], $0xffff;
	v46 =	vor.u32 v26, v34  }
0x189: {  	v35 =	vor.u32 v25, v30;
	v36 =	vld.idx.msk [tilespmem:v40+s15+$0x0], $0xffff  }
0x18a: {  	v34 =	vunpack.i.u.bf16.f32 v42;
	v42 =	vunpack.i.l.bf16.f32 v42;
	v38 =	vmul.bf16 v38, v39;
	v40 =	vld.idx.msk [tilespmem:v40+s16+$0x0], $0xffff  }
.Ltmp5:
0x18b: {  	v30 =	vadd.s32 s23, v0;
	v39 =	vadd.f32 v42, v47;
	v42 =	vadd.f32 v34, v37;
	v37 =	vld.idx.msk [tilespmem:v44+s15+$0x0], $0xffff;
	(pc) =	sbr.rel @p0 .LBB2_13-.Ltmp5, $4  }
0x18c: {  	v47 =	vunpack.i.u.bf16.f32 v38;
	v38 =	vunpack.i.l.bf16.f32 v38;
	v45 =	vmul.bf16 v41, v45;
	v41 =	vld.idx.msk [tilespmem:v44+s16+$0x0], $0xffff  }
0x18d: {  	v34 =	vand.u32 $0xF, v30;
	v39 =	vadd.f32 v38, v39;
	v47 =	vadd.f32 v47, v42;
	v38 =	vld.idx.msk [tilespmem:v46+s15+$0x0], $0xffff  }
0x18e: {  	v49 =	vunpack.i.u.bf16.f32 v45;
	v45 =	vunpack.i.l.bf16.f32 v45;
	v44 =	vmul.bf16 v43, v48;
	v43 =	vld.idx.msk [tilespmem:v46+s16+$0x0], $0xffff  }
0x18f: {  	s23 =	sadd.s32 $0x1, s23;
	v42 =	vor.u32 v31, v34;
	v46 =	vadd.f32 v45, v39;
	v45 =	vadd.f32 v49, v47;
	v39 =	vld.idx.msk [tilespmem:v35+s15+$0x0], $0xffff  }
0x190: {  	_ =	sdelay $0x1  }
0x191: {  	v31 =	vor.u32 v33, v30  }
0x192: {  	v51 =	vunpack.i.l.bf16.f32 v44  }
0x193: {  	v36 =	vmul.bf16 v40, v36;
	v52 =	vunpack.i.u.bf16.f32 v44;
	v35 =	vld.idx.msk [tilespmem:v35+s16+$0x0], $0xffff;
	v32 =	vor.u32 v32, v34  }
0x194: {  	v54 =	vld.idx.msk [tilespmem:v42+s15+$0x0], $0xffff;
	v29 =	vor.u32 v29, v30;
	v33 =	vadd.f32 v51, v46;
	v40 =	vadd.f32 v52, v45  }
0x195: {  	v55 =	vld.idx.msk [tilespmem:v42+s16+$0x0], $0xffff;
	v37 =	vmul.bf16 v41, v37;
	v53 =	vunpack.i.l.bf16.f32 v36;
	v36 =	vunpack.i.u.bf16.f32 v36  }
0x196: {  	v28 =	vor.u32 v28, v34;
	v33 =	vadd.f32 v53, v33;
	v36 =	vadd.f32 v36, v40;
	v57 =	vld.idx.msk [tilespmem:v31+s15+$0x0], $0xffff  }
0x197: {  	v56 =	vunpack.i.l.bf16.f32 v37;
	v38 =	vmul.bf16 v43, v38;
	v37 =	vunpack.i.u.bf16.f32 v37;
	v31 =	vld.idx.msk [tilespmem:v31+s16+$0x0], $0xffff  }
0x198: {  	v27 =	vor.u32 v27, v30;
	v33 =	vadd.f32 v56, v33;
	v36 =	vadd.f32 v37, v36;
	v59 =	vld.idx.msk [tilespmem:v32+s15+$0x0], $0xffff  }
0x199: {  	v58 =	vunpack.i.l.bf16.f32 v38;
	v35 =	vmul.bf16 v35, v39;
	v38 =	vunpack.i.u.bf16.f32 v38;
	v32 =	vld.idx.msk [tilespmem:v32+s16+$0x0], $0xffff  }
0x19a: {  	v25 =	vor.u32 v25, v30;
	v61 =	vld.idx.msk [tilespmem:v29+s15+$0x0], $0xffff;
	v33 =	vadd.f32 v58, v33;
	v36 =	vadd.f32 v38, v36  }
0x19b: {  	v62 =	vmul.bf16 v55, v54;
	v29 =	vld.idx.msk [tilespmem:v29+s16+$0x0], $0xffff;
	v60 =	vunpack.i.l.bf16.f32 v35;
	v35 =	vunpack.i.u.bf16.f32 v35  }
0x19c: {  	v26 =	vor.u32 v26, v34;
	v41 =	vld.idx.msk [tilespmem:v28+s15+$0x0], $0xffff;
	v33 =	vadd.f32 v60, v33;
	v63 =	vadd.f32 v35, v36  }
0x19d: {  	v28 =	vld.idx.msk [tilespmem:v28+s16+$0x0], $0xffff;
	v42 =	vunpack.i.l.bf16.f32 v62;
	v30 =	vunpack.i.u.bf16.f32 v62;
	v31 =	vmul.bf16 v31, v57  }
0x19e: {  	v43 =	vld.idx.msk [tilespmem:v27+s15+$0x0], $0xffff;
	v33 =	vadd.f32 v42, v33;
	v30 =	vadd.f32 v30, v63  }
0x19f: {  	v27 =	vld.idx.msk [tilespmem:v27+s16+$0x0], $0xffff;
	v32 =	vmul.bf16 v32, v59;
	v44 =	vunpack.i.l.bf16.f32 v31;
	v31 =	vunpack.i.u.bf16.f32 v31  }
0x1a0: {  	v46 =	vld.idx.msk [tilespmem:v25+s15+$0x0], $0xffff;
	v33 =	vadd.f32 v44, v33;
	v30 =	vadd.f32 v31, v30  }
0x1a1: {  	v29 =	vmul.bf16 v29, v61;
	v45 =	vunpack.i.l.bf16.f32 v32;
	v32 =	vunpack.i.u.bf16.f32 v32;
	v31 =	vld.idx.msk [tilespmem:v26+s15+$0x0], $0xffff  }
0x1a2: {  	v26 =	vld.idx.msk [tilespmem:v26+s16+$0x0], $0xffff;
	v33 =	vadd.f32 v45, v33;
	v30 =	vadd.f32 v32, v30  }
0x1a3: {  	v25 =	vld.idx.msk [tilespmem:v25+s16+$0x0], $0xffff;
	v28 =	vmul.bf16 v28, v41;
	v47 =	vunpack.i.l.bf16.f32 v29;
	v29 =	vunpack.i.u.bf16.f32 v29  }
0x1a4: {  	v33 =	vadd.f32 v47, v33;
	v29 =	vadd.f32 v29, v30  }
0x1a5: {  	v27 =	vmul.bf16 v27, v43;
	v30 =	vunpack.i.l.bf16.f32 v28;
	v28 =	vunpack.i.u.bf16.f32 v28  }
0x1a6: {  	v30 =	vadd.f32 v30, v33;
	v28 =	vadd.f32 v28, v29  }
0x1a7: {  	v26 =	vmul.bf16 v26, v31;
	v29 =	vunpack.i.l.bf16.f32 v27;
	v27 =	vunpack.i.u.bf16.f32 v27  }
0x1a8: {  	v25 =	vmul.bf16 v25, v46;
	v29 =	vadd.f32 v29, v30;
	v27 =	vadd.f32 v27, v28  }
0x1a9: {  	s23 =	simm.s32 $0x0;
	v31 =	vor.u32 $0x3000, v1;
	v28 =	vunpack.i.l.bf16.f32 v26;
	v26 =	vunpack.i.u.bf16.f32 v26  }
0x1aa: {  	v30 =	vadd.s32 s23, v0;
	v28 =	vadd.f32 v28, v29;
	v26 =	vadd.f32 v26, v27  }
0x1ab: {  	v48 =	vand.u32 $0xF, v30;
	v27 =	vunpack.i.u.bf16.f32 v25;
	v25 =	vunpack.i.l.bf16.f32 v25  }
0x1ac: {  	v25 =	vadd.f32 v25, v28;
	v26 =	vadd.f32 v27, v26;
	v27 =	vor.u32 v31, v48  }
0x1ad: {  	v29 =	vor.u32 $0x3030, v1  }
0x1ae: {  	v33 =	vor.u32 $0x3010, v1;
	v50 =	vor.u32 v29, v30;
	v25 =	vadd.f32 v26, v25  }
0x1af: {  	v26 =	vor.u32 v33, v30  }
0x1b0: {  	v32 =	vor.u32 $0x3020, v1;
	[tilespmem:s22+$0x1DFE0] =	vst v25  }
0x1b1: {  	v25 =	vor.u32 v32, v48;
	v49 =	vld.idx.msk [tilespmem:v27+s15+$0x0], $0xffff  }
0x1b2: {  	v51 =	vld.idx.msk [tilespmem:v27+s16+$0x0], $0xffff  }
0x1b3: {  	v28 =	vor.u32 $0x3040, v1;
	v58 =	vld.idx.msk [tilespmem:v50+s15+$0x0], $0xffff  }
0x1b4: {  	v54 =	vor.u32 v28, v48;
	v52 =	vld.idx.msk [tilespmem:v26+s15+$0x0], $0xffff  }
0x1b5: {  	v27 =	vor.u32 $0x3050, v1;
	v53 =	vld.idx.msk [tilespmem:v26+s16+$0x0], $0xffff  }
0x1b6: {  	v57 =	vor.u32 v27, v30;
	v55 =	vld.idx.msk [tilespmem:v25+s15+$0x0], $0xffff  }
0x1b7: {  	v26 =	vor.u32 $0x3060, v1;
	v56 =	vld.idx.msk [tilespmem:v25+s16+$0x0], $0xffff  }
0x1b8: {  	v59 =	vld.idx.msk [tilespmem:v50+s16+$0x0], $0xffff;
	v60 =	vor.u32 v26, v48;
	v25 =	vor.u32 $0x3070, v1;
	v37 =	vmul.bf16 v51, v49  }
0x1b9: {  	v61 =	vimm.f32 $0.0e+00;
	v36 =	vld.idx.msk [tilespmem:v54+s15+$0x0], $0xffff;
	v35 =	vor.u32 v25, v30  }
0x1ba: {  	s31 =	simm.s32 $0x1;
	v40 =	vld.idx.msk [tilespmem:v54+s16+$0x0], $0xffff;
	v47 =	vunpack.i.u.bf16.f32 v37;
	v37 =	vunpack.i.l.bf16.f32 v37;
	v38 =	vmul.bf16 v53, v52  }
0x1bb: {  	v30 =	vadd.s32 s31, v0;
	v41 =	vld.idx.msk [tilespmem:v57+s16+$0x0], $0xffff;
	v62 =	vadd.f32 v37, v61;
	v47 =	vadd.f32 v47, v61  }
0x1bc: {  	v37 =	vld.idx.msk [tilespmem:v57+s15+$0x0], $0xffff;
	v48 =	vunpack.i.u.bf16.f32 v38;
	v38 =	vunpack.i.l.bf16.f32 v38;
	v42 =	vmul.bf16 v56, v55  }
0x1bd: {  	v44 =	vmul.bf16 v59, v58;
	v43 =	vld.idx.msk [tilespmem:v60+s16+$0x0], $0xffff;
	v39 =	vadd.f32 v38, v62;
	v47 =	vadd.f32 v48, v47  }
0x1be: {  	v34 =	vand.u32 $0xF, v30;
	v38 =	vld.idx.msk [tilespmem:v60+s15+$0x0], $0xffff;
	v63 =	vunpack.i.u.bf16.f32 v42;
	v49 =	vunpack.i.l.bf16.f32 v42  }
0x1bf: {  	s23 =	simm.s32 $0x2;
	v42 =	vor.u32 v31, v34;
	v46 =	vadd.f32 v49, v39;
	v45 =	vadd.f32 v63, v47;
	v39 =	vld.idx.msk [tilespmem:v35+s15+$0x0], $0xffff  }
.LBB2_15:
0x1c0: {  	p0 =	sne.s32 s23, $0xF;
	v47 =	vunpack.i.u.bf16.f32 v44;
	v44 =	vunpack.i.l.bf16.f32 v44;
	v36 =	vmul.bf16 v40, v36;
	v35 =	vld.idx.msk [tilespmem:v35+s16+$0x0], $0xffff  }
0x1c1: {  	v40 =	vor.u32 v33, v30;
	v44 =	vadd.f32 v44, v46;
	v45 =	vadd.f32 v47, v45  }
0x1c2: {  	v37 =	vmul.bf16 v41, v37;
	v46 =	vunpack.i.u.bf16.f32 v36;
	v36 =	vunpack.i.l.bf16.f32 v36  }
0x1c3: {  	v41 =	vor.u32 v32, v34;
	v36 =	vadd.f32 v36, v44;
	v44 =	vadd.f32 v46, v45  }
0x1c4: {  	v45 =	vunpack.i.u.bf16.f32 v37;
	v37 =	vunpack.i.l.bf16.f32 v37;
	v38 =	vmul.bf16 v43, v38  }
0x1c5: {  	v46 =	vor.u32 v29, v30;
	v43 =	vld.idx.msk [tilespmem:v42+s15+$0x0], $0xffff;
	v36 =	vadd.f32 v37, v36;
	v37 =	vadd.f32 v45, v44  }
0x1c6: {  	v44 =	vunpack.i.u.bf16.f32 v38;
	v38 =	vunpack.i.l.bf16.f32 v38;
	v35 =	vmul.bf16 v35, v39;
	v42 =	vld.idx.msk [tilespmem:v42+s16+$0x0], $0xffff  }
0x1c7: {  	v39 =	vld.idx.msk [tilespmem:v40+s15+$0x0], $0xffff;
	v36 =	vadd.f32 v38, v36;
	v37 =	vadd.f32 v44, v37  }
0x1c8: {  	v44 =	vunpack.i.u.bf16.f32 v35;
	v35 =	vunpack.i.l.bf16.f32 v35;
	v38 =	vld.idx.msk [tilespmem:v40+s16+$0x0], $0xffff;
	v40 =	vor.u32 v28, v34  }
0x1c9: {  	v45 =	vld.idx.msk [tilespmem:v41+s15+$0x0], $0xffff;
	v47 =	vadd.f32 v35, v36;
	v37 =	vadd.f32 v44, v37  }
0x1ca: {  	v44 =	vor.u32 v27, v30;
	v41 =	vld.idx.msk [tilespmem:v41+s16+$0x0], $0xffff  }
0x1cb: {  	v48 =	vld.idx.msk [tilespmem:v46+s15+$0x0], $0xffff  }
0x1cc: {  	v42 =	vmul.bf16 v42, v43;
	v43 =	vld.idx.msk [tilespmem:v46+s16+$0x0], $0xffff;
	v46 =	vor.u32 v26, v34  }
0x1cd: {  	v35 =	vor.u32 v25, v30;
	v36 =	vld.idx.msk [tilespmem:v40+s15+$0x0], $0xffff  }
0x1ce: {  	v34 =	vunpack.i.u.bf16.f32 v42;
	v42 =	vunpack.i.l.bf16.f32 v42;
	v38 =	vmul.bf16 v38, v39;
	v40 =	vld.idx.msk [tilespmem:v40+s16+$0x0], $0xffff  }
.Ltmp6:
0x1cf: {  	v30 =	vadd.s32 s23, v0;
	v39 =	vadd.f32 v42, v47;
	v42 =	vadd.f32 v34, v37;
	v37 =	vld.idx.msk [tilespmem:v44+s15+$0x0], $0xffff;
	(pc) =	sbr.rel @p0 .LBB2_15-.Ltmp6, $4  }
0x1d0: {  	v47 =	vunpack.i.u.bf16.f32 v38;
	v38 =	vunpack.i.l.bf16.f32 v38;
	v45 =	vmul.bf16 v41, v45;
	v41 =	vld.idx.msk [tilespmem:v44+s16+$0x0], $0xffff  }
0x1d1: {  	v34 =	vand.u32 $0xF, v30;
	v39 =	vadd.f32 v38, v39;
	v47 =	vadd.f32 v47, v42;
	v38 =	vld.idx.msk [tilespmem:v46+s15+$0x0], $0xffff  }
0x1d2: {  	v49 =	vunpack.i.u.bf16.f32 v45;
	v45 =	vunpack.i.l.bf16.f32 v45;
	v44 =	vmul.bf16 v43, v48;
	v43 =	vld.idx.msk [tilespmem:v46+s16+$0x0], $0xffff  }
0x1d3: {  	s23 =	sadd.s32 $0x1, s23;
	v42 =	vor.u32 v31, v34;
	v46 =	vadd.f32 v45, v39;
	v45 =	vadd.f32 v49, v47;
	v39 =	vld.idx.msk [tilespmem:v35+s15+$0x0], $0xffff  }
0x1d4: {  	_ =	sdelay $0x1  }
0x1d5: {  	v31 =	vor.u32 v33, v30  }
0x1d6: {  	v51 =	vunpack.i.l.bf16.f32 v44  }
0x1d7: {  	v36 =	vmul.bf16 v40, v36;
	v52 =	vunpack.i.u.bf16.f32 v44;
	v35 =	vld.idx.msk [tilespmem:v35+s16+$0x0], $0xffff;
	v32 =	vor.u32 v32, v34  }
0x1d8: {  	v54 =	vld.idx.msk [tilespmem:v42+s15+$0x0], $0xffff;
	v29 =	vor.u32 v29, v30;
	v33 =	vadd.f32 v51, v46;
	v40 =	vadd.f32 v52, v45  }
0x1d9: {  	v55 =	vld.idx.msk [tilespmem:v42+s16+$0x0], $0xffff;
	v37 =	vmul.bf16 v41, v37;
	v53 =	vunpack.i.l.bf16.f32 v36;
	v36 =	vunpack.i.u.bf16.f32 v36  }
0x1da: {  	v28 =	vor.u32 v28, v34;
	v33 =	vadd.f32 v53, v33;
	v36 =	vadd.f32 v36, v40;
	v57 =	vld.idx.msk [tilespmem:v31+s15+$0x0], $0xffff  }
0x1db: {  	v56 =	vunpack.i.l.bf16.f32 v37;
	v38 =	vmul.bf16 v43, v38;
	v37 =	vunpack.i.u.bf16.f32 v37;
	v31 =	vld.idx.msk [tilespmem:v31+s16+$0x0], $0xffff  }
0x1dc: {  	v27 =	vor.u32 v27, v30;
	v33 =	vadd.f32 v56, v33;
	v36 =	vadd.f32 v37, v36;
	v59 =	vld.idx.msk [tilespmem:v32+s15+$0x0], $0xffff  }
0x1dd: {  	v58 =	vunpack.i.l.bf16.f32 v38;
	v35 =	vmul.bf16 v35, v39;
	v38 =	vunpack.i.u.bf16.f32 v38;
	v32 =	vld.idx.msk [tilespmem:v32+s16+$0x0], $0xffff  }
0x1de: {  	v25 =	vor.u32 v25, v30;
	v61 =	vld.idx.msk [tilespmem:v29+s15+$0x0], $0xffff;
	v33 =	vadd.f32 v58, v33;
	v36 =	vadd.f32 v38, v36  }
0x1df: {  	v62 =	vmul.bf16 v55, v54;
	v29 =	vld.idx.msk [tilespmem:v29+s16+$0x0], $0xffff;
	v60 =	vunpack.i.l.bf16.f32 v35;
	v35 =	vunpack.i.u.bf16.f32 v35  }
0x1e0: {  	v26 =	vor.u32 v26, v34;
	v41 =	vld.idx.msk [tilespmem:v28+s15+$0x0], $0xffff;
	v33 =	vadd.f32 v60, v33;
	v63 =	vadd.f32 v35, v36  }
0x1e1: {  	v28 =	vld.idx.msk [tilespmem:v28+s16+$0x0], $0xffff;
	v42 =	vunpack.i.l.bf16.f32 v62;
	v30 =	vunpack.i.u.bf16.f32 v62;
	v31 =	vmul.bf16 v31, v57  }
0x1e2: {  	v43 =	vld.idx.msk [tilespmem:v27+s15+$0x0], $0xffff;
	v33 =	vadd.f32 v42, v33;
	v30 =	vadd.f32 v30, v63  }
0x1e3: {  	v27 =	vld.idx.msk [tilespmem:v27+s16+$0x0], $0xffff;
	v32 =	vmul.bf16 v32, v59;
	v44 =	vunpack.i.l.bf16.f32 v31;
	v31 =	vunpack.i.u.bf16.f32 v31  }
0x1e4: {  	v46 =	vld.idx.msk [tilespmem:v25+s15+$0x0], $0xffff;
	v33 =	vadd.f32 v44, v33;
	v30 =	vadd.f32 v31, v30  }
0x1e5: {  	v29 =	vmul.bf16 v29, v61;
	v45 =	vunpack.i.l.bf16.f32 v32;
	v32 =	vunpack.i.u.bf16.f32 v32;
	v31 =	vld.idx.msk [tilespmem:v26+s15+$0x0], $0xffff  }
0x1e6: {  	v26 =	vld.idx.msk [tilespmem:v26+s16+$0x0], $0xffff;
	v33 =	vadd.f32 v45, v33;
	v30 =	vadd.f32 v32, v30  }
0x1e7: {  	v25 =	vld.idx.msk [tilespmem:v25+s16+$0x0], $0xffff;
	v28 =	vmul.bf16 v28, v41;
	v47 =	vunpack.i.l.bf16.f32 v29;
	v29 =	vunpack.i.u.bf16.f32 v29  }
0x1e8: {  	v33 =	vadd.f32 v47, v33;
	v29 =	vadd.f32 v29, v30  }
0x1e9: {  	v27 =	vmul.bf16 v27, v43;
	v30 =	vunpack.i.l.bf16.f32 v28;
	v28 =	vunpack.i.u.bf16.f32 v28  }
0x1ea: {  	v30 =	vadd.f32 v30, v33;
	v28 =	vadd.f32 v28, v29  }
0x1eb: {  	v26 =	vmul.bf16 v26, v31;
	v29 =	vunpack.i.l.bf16.f32 v27;
	v27 =	vunpack.i.u.bf16.f32 v27  }
0x1ec: {  	v25 =	vmul.bf16 v25, v46;
	v29 =	vadd.f32 v29, v30;
	v27 =	vadd.f32 v27, v28  }
0x1ed: {  	s23 =	simm.s32 $0x0;
	v32 =	vor.u32 $0x3800, v1;
	v28 =	vunpack.i.l.bf16.f32 v26;
	v26 =	vunpack.i.u.bf16.f32 v26  }
0x1ee: {  	v30 =	vadd.s32 s23, v0;
	v28 =	vadd.f32 v28, v29;
	v26 =	vadd.f32 v26, v27  }
0x1ef: {  	v48 =	vand.u32 $0xF, v30;
	v27 =	vunpack.i.u.bf16.f32 v25;
	v25 =	vunpack.i.l.bf16.f32 v25  }
0x1f0: {  	v25 =	vadd.f32 v25, v28;
	v26 =	vadd.f32 v27, v26;
	v27 =	vor.u32 v32, v48  }
0x1f1: {  	v29 =	vor.u32 $0x3830, v1  }
0x1f2: {  	v33 =	vor.u32 $0x3810, v1;
	v50 =	vor.u32 v29, v30;
	v25 =	vadd.f32 v26, v25  }
0x1f3: {  	v26 =	vor.u32 v33, v30  }
0x1f4: {  	v31 =	vor.u32 $0x3820, v1;
	[tilespmem:s22+$0x1DFF0] =	vst v25  }
0x1f5: {  	v25 =	vor.u32 v31, v48;
	v49 =	vld.idx.msk [tilespmem:v27+s15+$0x0], $0xffff  }
0x1f6: {  	v51 =	vld.idx.msk [tilespmem:v27+s16+$0x0], $0xffff  }
0x1f7: {  	v28 =	vor.u32 $0x3840, v1;
	v58 =	vld.idx.msk [tilespmem:v50+s15+$0x0], $0xffff  }
0x1f8: {  	v54 =	vor.u32 v28, v48;
	v52 =	vld.idx.msk [tilespmem:v26+s15+$0x0], $0xffff  }
0x1f9: {  	v27 =	vor.u32 $0x3850, v1;
	v53 =	vld.idx.msk [tilespmem:v26+s16+$0x0], $0xffff  }
0x1fa: {  	v57 =	vor.u32 v27, v30;
	v55 =	vld.idx.msk [tilespmem:v25+s15+$0x0], $0xffff  }
0x1fb: {  	v26 =	vor.u32 $0x3860, v1;
	v56 =	vld.idx.msk [tilespmem:v25+s16+$0x0], $0xffff  }
0x1fc: {  	v59 =	vld.idx.msk [tilespmem:v50+s16+$0x0], $0xffff;
	v60 =	vor.u32 v26, v48;
	v25 =	vor.u32 $0x3870, v1;
	v37 =	vmul.bf16 v51, v49  }
0x1fd: {  	v61 =	vimm.f32 $0.0e+00;
	v35 =	vld.idx.msk [tilespmem:v54+s15+$0x0], $0xffff;
	v36 =	vor.u32 v25, v30  }
0x1fe: {  	s31 =	simm.s32 $0x1;
	v40 =	vld.idx.msk [tilespmem:v54+s16+$0x0], $0xffff;
	v47 =	vunpack.i.u.bf16.f32 v37;
	v37 =	vunpack.i.l.bf16.f32 v37;
	v38 =	vmul.bf16 v53, v52  }
0x1ff: {  	v30 =	vadd.s32 s31, v0;
	v41 =	vld.idx.msk [tilespmem:v57+s16+$0x0], $0xffff;
	v62 =	vadd.f32 v37, v61;
	v47 =	vadd.f32 v47, v61  }
0x200: {  	v37 =	vld.idx.msk [tilespmem:v57+s15+$0x0], $0xffff;
	v48 =	vunpack.i.u.bf16.f32 v38;
	v38 =	vunpack.i.l.bf16.f32 v38;
	v42 =	vmul.bf16 v56, v55  }
0x201: {  	v44 =	vmul.bf16 v59, v58;
	v43 =	vld.idx.msk [tilespmem:v60+s16+$0x0], $0xffff;
	v39 =	vadd.f32 v38, v62;
	v47 =	vadd.f32 v48, v47  }
0x202: {  	v34 =	vand.u32 $0xF, v30;
	v38 =	vld.idx.msk [tilespmem:v60+s15+$0x0], $0xffff;
	v63 =	vunpack.i.u.bf16.f32 v42;
	v49 =	vunpack.i.l.bf16.f32 v42  }
0x203: {  	s23 =	simm.s32 $0x2;
	v42 =	vor.u32 v32, v34;
	v45 =	vadd.f32 v49, v39;
	v46 =	vadd.f32 v63, v47;
	v39 =	vld.idx.msk [tilespmem:v36+s15+$0x0], $0xffff  }
.LBB2_17:
0x204: {  	p0 =	sne.s32 s23, $0xF;
	v47 =	vunpack.i.u.bf16.f32 v44;
	v44 =	vunpack.i.l.bf16.f32 v44;
	v35 =	vmul.bf16 v40, v35;
	v36 =	vld.idx.msk [tilespmem:v36+s16+$0x0], $0xffff  }
0x205: {  	v40 =	vor.u32 v33, v30;
	v44 =	vadd.f32 v44, v45;
	v45 =	vadd.f32 v47, v46  }
0x206: {  	v37 =	vmul.bf16 v41, v37;
	v46 =	vunpack.i.u.bf16.f32 v35;
	v35 =	vunpack.i.l.bf16.f32 v35  }
0x207: {  	v41 =	vor.u32 v31, v34;
	v35 =	vadd.f32 v35, v44;
	v44 =	vadd.f32 v46, v45  }
0x208: {  	v45 =	vunpack.i.u.bf16.f32 v37;
	v37 =	vunpack.i.l.bf16.f32 v37;
	v38 =	vmul.bf16 v43, v38  }
0x209: {  	v46 =	vor.u32 v29, v30;
	v43 =	vld.idx.msk [tilespmem:v42+s15+$0x0], $0xffff;
	v35 =	vadd.f32 v37, v35;
	v37 =	vadd.f32 v45, v44  }
0x20a: {  	v44 =	vunpack.i.u.bf16.f32 v38;
	v38 =	vunpack.i.l.bf16.f32 v38;
	v36 =	vmul.bf16 v36, v39;
	v42 =	vld.idx.msk [tilespmem:v42+s16+$0x0], $0xffff  }
0x20b: {  	v39 =	vld.idx.msk [tilespmem:v40+s15+$0x0], $0xffff;
	v35 =	vadd.f32 v38, v35;
	v37 =	vadd.f32 v44, v37  }
0x20c: {  	v44 =	vunpack.i.u.bf16.f32 v36;
	v36 =	vunpack.i.l.bf16.f32 v36;
	v38 =	vld.idx.msk [tilespmem:v40+s16+$0x0], $0xffff;
	v40 =	vor.u32 v28, v34  }
0x20d: {  	v45 =	vld.idx.msk [tilespmem:v41+s15+$0x0], $0xffff;
	v47 =	vadd.f32 v36, v35;
	v37 =	vadd.f32 v44, v37  }
0x20e: {  	v44 =	vor.u32 v27, v30;
	v41 =	vld.idx.msk [tilespmem:v41+s16+$0x0], $0xffff  }
0x20f: {  	v48 =	vld.idx.msk [tilespmem:v46+s15+$0x0], $0xffff  }
0x210: {  	v42 =	vmul.bf16 v42, v43;
	v43 =	vld.idx.msk [tilespmem:v46+s16+$0x0], $0xffff;
	v46 =	vor.u32 v26, v34  }
0x211: {  	v36 =	vor.u32 v25, v30;
	v35 =	vld.idx.msk [tilespmem:v40+s15+$0x0], $0xffff  }
0x212: {  	v34 =	vunpack.i.u.bf16.f32 v42;
	v42 =	vunpack.i.l.bf16.f32 v42;
	v38 =	vmul.bf16 v38, v39;
	v40 =	vld.idx.msk [tilespmem:v40+s16+$0x0], $0xffff  }
.Ltmp7:
0x213: {  	v30 =	vadd.s32 s23, v0;
	v39 =	vadd.f32 v42, v47;
	v42 =	vadd.f32 v34, v37;
	v37 =	vld.idx.msk [tilespmem:v44+s15+$0x0], $0xffff;
	(pc) =	sbr.rel @p0 .LBB2_17-.Ltmp7, $4  }
0x214: {  	v47 =	vunpack.i.u.bf16.f32 v38;
	v38 =	vunpack.i.l.bf16.f32 v38;
	v45 =	vmul.bf16 v41, v45;
	v41 =	vld.idx.msk [tilespmem:v44+s16+$0x0], $0xffff  }
0x215: {  	v34 =	vand.u32 $0xF, v30;
	v39 =	vadd.f32 v38, v39;
	v47 =	vadd.f32 v47, v42;
	v38 =	vld.idx.msk [tilespmem:v46+s15+$0x0], $0xffff  }
0x216: {  	v49 =	vunpack.i.u.bf16.f32 v45;
	v45 =	vunpack.i.l.bf16.f32 v45;
	v44 =	vmul.bf16 v43, v48;
	v43 =	vld.idx.msk [tilespmem:v46+s16+$0x0], $0xffff  }
0x217: {  	s23 =	sadd.s32 $0x1, s23;
	v42 =	vor.u32 v32, v34;
	v45 =	vadd.f32 v45, v39;
	v46 =	vadd.f32 v49, v47;
	v39 =	vld.idx.msk [tilespmem:v36+s15+$0x0], $0xffff  }
0x218: {  	_ =	sdelay $0x1  }
0x219: {  	v32 =	vor.u32 v33, v30  }
0x21a: {  	v53 =	vunpack.i.u.bf16.f32 v44;
	v54 =	vunpack.i.l.bf16.f32 v44;
	v35 =	vmul.bf16 v40, v35  }
0x21b: {  	v36 =	vld.idx.msk [tilespmem:v36+s16+$0x0], $0xffff;
	v31 =	vor.u32 v31, v34;
	v55 =	vadd.f32 v54, v45;
	v33 =	vadd.f32 v53, v46  }
0x21c: {  	v57 =	vld.idx.msk [tilespmem:v42+s15+$0x0], $0xffff;
	v37 =	vmul.bf16 v41, v37;
	v56 =	vunpack.i.u.bf16.f32 v35;
	v35 =	vunpack.i.l.bf16.f32 v35  }
0x21d: {  	v29 =	vor.u32 v29, v30;
	v58 =	vld.idx.msk [tilespmem:v42+s16+$0x0], $0xffff;
	v35 =	vadd.f32 v35, v55;
	v33 =	vadd.f32 v56, v33  }
0x21e: {  	v59 =	vunpack.i.u.bf16.f32 v37;
	v37 =	vunpack.i.l.bf16.f32 v37;
	v38 =	vmul.bf16 v43, v38;
	v60 =	vld.idx.msk [tilespmem:v32+s15+$0x0], $0xffff  }
0x21f: {  	v28 =	vor.u32 v28, v34;
	v35 =	vadd.f32 v37, v35;
	v33 =	vadd.f32 v59, v33;
	v32 =	vld.idx.msk [tilespmem:v32+s16+$0x0], $0xffff  }
0x220: {  	v61 =	vunpack.i.u.bf16.f32 v38;
	v38 =	vunpack.i.l.bf16.f32 v38;
	v36 =	vmul.bf16 v36, v39;
	v62 =	vld.idx.msk [tilespmem:v31+s15+$0x0], $0xffff  }
0x221: {  	v27 =	vor.u32 v27, v30;
	v31 =	vld.idx.msk [tilespmem:v31+s16+$0x0], $0xffff;
	v35 =	vadd.f32 v38, v35;
	v33 =	vadd.f32 v61, v33  }
0x222: {  	v44 =	vld.idx.msk [tilespmem:v29+s15+$0x0], $0xffff;
	v40 =	vmul.bf16 v58, v57;
	v63 =	vunpack.i.u.bf16.f32 v36;
	v36 =	vunpack.i.l.bf16.f32 v36  }
0x223: {  	v26 =	vor.u32 v26, v34;
	v29 =	vld.idx.msk [tilespmem:v29+s16+$0x0], $0xffff;
	v35 =	vadd.f32 v36, v35;
	v33 =	vadd.f32 v63, v33  }
0x224: {  	v45 =	vld.idx.msk [tilespmem:v28+s15+$0x0], $0xffff;
	v46 =	vunpack.i.u.bf16.f32 v40;
	v47 =	vunpack.i.l.bf16.f32 v40;
	v32 =	vmul.bf16 v32, v60  }
0x225: {  	v25 =	vor.u32 v25, v30;
	v28 =	vld.idx.msk [tilespmem:v28+s16+$0x0], $0xffff;
	v48 =	vadd.f32 v47, v35;
	v33 =	vadd.f32 v46, v33  }
0x226: {  	v49 =	vld.idx.msk [tilespmem:v27+s15+$0x0], $0xffff;
	v31 =	vmul.bf16 v31, v62;
	v50 =	vunpack.i.u.bf16.f32 v32;
	v32 =	vunpack.i.l.bf16.f32 v32  }
0x227: {  	v27 =	vld.idx.msk [tilespmem:v27+s16+$0x0], $0xffff;
	v30 =	vadd.f32 v32, v48;
	v51 =	vadd.f32 v50, v33  }
0x228: {  	v52 =	vld.idx.msk [tilespmem:v26+s15+$0x0], $0xffff;
	v29 =	vmul.bf16 v29, v44;
	v53 =	vunpack.i.u.bf16.f32 v31;
	v31 =	vunpack.i.l.bf16.f32 v31  }
0x229: {  	v26 =	vld.idx.msk [tilespmem:v26+s16+$0x0], $0xffff;
	v30 =	vadd.f32 v31, v30;
	v54 =	vadd.f32 v53, v51  }
0x22a: {  	v55 =	vld.idx.msk [tilespmem:v25+s15+$0x0], $0xffff;
	v28 =	vmul.bf16 v28, v45;
	v56 =	vunpack.i.u.bf16.f32 v29;
	v29 =	vunpack.i.l.bf16.f32 v29  }
0x22b: {  	v25 =	vld.idx.msk [tilespmem:v25+s16+$0x0], $0xffff;
	v29 =	vadd.f32 v29, v30;
	v57 =	vadd.f32 v56, v54  }
0x22c: {  	v27 =	vmul.bf16 v27, v49;
	v58 =	vunpack.i.u.bf16.f32 v28;
	v28 =	vunpack.i.l.bf16.f32 v28  }
0x22d: {  	v28 =	vadd.f32 v28, v29;
	v59 =	vadd.f32 v58, v57  }
0x22e: {  	v26 =	vmul.bf16 v26, v52;
	v60 =	vunpack.i.u.bf16.f32 v27;
	v27 =	vunpack.i.l.bf16.f32 v27  }
0x22f: {  	v27 =	vadd.f32 v27, v28;
	v61 =	vadd.f32 v60, v59  }
0x230: {  	v25 =	vmul.bf16 v25, v55;
	v62 =	vunpack.i.u.bf16.f32 v26;
	v26 =	vunpack.i.l.bf16.f32 v26  }
0x231: {  	s21 =	sadd.s32 $0x1, s21;
	v26 =	vadd.f32 v26, v27;
	v27 =	vadd.f32 v62, v61  }
0x232: {  	p0 =	sne.s32 s21, $0x28;
	v63 =	vunpack.i.u.bf16.f32 v25;
	v25 =	vunpack.i.l.bf16.f32 v25  }
.Ltmp8:
0x233: {  	v25 =	vadd.f32 v25, v26;
	v26 =	vadd.f32 v63, v27;
	(pc) =	sbr.rel @p0 .LBB2_2-.Ltmp8, $3  }
0x234: {  	_ = 	snop  }
0x235: {  	v25 =	vadd.f32 v26, v25;
	_ =	sdelay $0x1  }
0x236: {  	[tilespmem:s22+$0x1E000] =	vst v25  }
0x237: {  	s20 =	sadd.s32 $0x1, s20  }
0x238: {  	p0 =	sne.s32 s20, s9  }
.Ltmp9:
0x239: {  	_ = 	snop;
	(pc) =	sbr.rel @p0 .LBB2_1-.Ltmp9, $4  }
0x23a: {  	[hbm4b:s8+s3] =	stream.linear.scatter [tilespmem:s19], [sflag:$0x3], $0x1388, $0x38;
	[tilespmem:$0x1F318] =	vst v63  }
0x23b: {  	_ =	swait.ge [sflag:s11], $0x1388  }
0x23c: {  	[sflag:s11] =	ssyncset.done $0x0  }
0x23d: {  	[sflag:s11] =	ssyncadd.s32 $0xFFFFEC78  }
0x23e: {  	_ =	sfence.sel $0x180000  }
0x23f: {  	[bflag:$0x0] =	sbarrier.arrive $0xFFFF  }
0x240: {  	p0 =	sne.s32 s1, $0x0;
	_ =	strace $0x90000047  }
0x241: {  	s0 =	sadd.s32 @!p0 $0x100000, s0;
	[bflag:$0x2] =	sbarrier.arrive $0xFFFF  }
0x242: {  	[sflag:s0] =	ssyncadd.tile.s32 @!p0 $0x1;
	_ =	shalt  }
.Lfunc_end2:
_tile_overlayer_lowered:
.L_overlay_start_2:
0x243: {  	(tag) =	ssettag $0x2  }
0x244: {  	s0 =	rddreg [dreg:$0x0];
	s2 =	stileid.u32  }
0x245: {  	s1 =	rddreg [dreg:$0x1];
	p0 =	sne.s32 s2, $0x0  }
0x246: {  	s3 =	rddreg [dreg:$0x2];
	[bflag:$0x3] =	sbarrier.arrive $0xFFFF;
	s2 =	simm.s32 @!p0 $0x1C03  }
0x247: {  	[timem:s3], [sflag:s2] =	dma.local @!p0 [hbm:s0], s1  }
0x248: {  	s0 =	simm.s32 @!p0 $0x3  }
0x249: {  	_ =	swait.ge @!p0 [sflag:s0], s1  }
0x24a: {  	s1 =	ssub.s32 @!p0 $0x0, s1;
	[sflag:s0] =	ssyncset.done @!p0 $0x0  }
0x24b: {  	[sflag:s0] =	ssyncadd.s32 @!p0 s1  }
0x24c: {  	[bflag:$0x3] =	sbarrier.arrive $0xFFFF  }
0x24d: {  	_ =	shalt  }

</sc_bundles>
